<compile_context>
chip_gen: v7x
topology: tpu7x:2x2x1
jax: 0.10.2.dev20260603
libtpu: 0.0.44.dev20260713+nightly
codegen_flags: <defaults>
</compile_context>

<pallas_src>
import functools

import jax
import jax.numpy as jnp
from jax import lax
from jax.experimental import pallas as pl
from jax.experimental.pallas import tpu as pltpu
from jax.experimental.pallas import tpu_sc as plsc

NC = 2
NS = 16
LANES = 16
CH = 80


def _bf16_bits(v):
    u = lax.bitcast_convert_type(v, jnp.uint32)
    return (u + 0x7FFF + ((u >> 16) & 1)) >> 16


def _ea_body(a1_ref, a2_ref, wlo_ref, whi_ref, blo_ref, bhi_ref, o_ref):
    def pack(a):
        lo = jnp.dot(a, wlo_ref[...], preferred_element_type=jnp.float32
                     ) + blo_ref[...]
        hi = jnp.dot(a, whi_ref[...], preferred_element_type=jnp.float32
                     ) + bhi_ref[...]
        return lax.bitcast_convert_type(
            _bf16_bits(lo) | (_bf16_bits(hi) << 16), jnp.int32)

    o_ref[...] = jnp.concatenate(
        [pack(a1_ref[...]), pack(a2_ref[...])], axis=1)


def _edge_proj(edge_attr, Wlo, Whi, blo, bhi):
    E, ED = edge_attr.shape
    DH = Wlo.shape[1]
    EH = E // 2
    BP = 8000
    grid = (EH // BP,)
    nb = EH // BP
    return pl.pallas_call(
        _ea_body,
        grid=grid,
        in_specs=[
            pl.BlockSpec((BP, ED), lambda i: (i, 0)),
            pl.BlockSpec((BP, ED), lambda i, _nb=nb: (i + _nb, 0)),
            pl.BlockSpec((ED, DH), lambda i: (0, 0)),
            pl.BlockSpec((ED, DH), lambda i: (0, 0)),
            pl.BlockSpec((1, DH), lambda i: (0, 0)),
            pl.BlockSpec((1, DH), lambda i: (0, 0)),
        ],
        out_specs=pl.BlockSpec((BP, 2 * DH), lambda i: (i, 0)),
        out_shape=jax.ShapeDtypeStruct((EH, 2 * DH), jnp.int32),
    )(edge_attr, edge_attr, Wlo, Whi,
      blo.reshape(1, DH), bhi.reshape(1, DH))


def _sc_edge_body(n_nodes, ncht, src_hbm, dst_hbm, ea_hbm, x_hbm, z_hbm,
                  out_hbm, srcall, db0, db1, xb0, xb1, eb0, eb1,
                  aggr_sh, g0, g1, e0, e1, d0, d1, s0, s1):
    D = 128
    cid = lax.axis_index("c")
    sid = lax.axis_index("s")
    tid = cid * NS + sid
    xbs = (xb0, xb1)
    ebs = (eb0, eb1)
    dbs = (db0, db1)
    gs = (g0, g1)
    es = (e0, e1)
    ds = (d0, d1)
    ss = (s0, s1)

    RB = 640
    rem_z = n_nodes - (NS - 1) * RB
    rem_o = rem_z

    @pl.when(sid < NS - 1)
    def _():
        pltpu.sync_copy(z_hbm.at[pl.ds(sid * RB, RB)],
                        aggr_sh.at[pl.ds(sid * RB, RB)])

    @pl.when(sid == NS - 1)
    def _():
        pltpu.sync_copy(z_hbm.at[pl.ds((NS - 1) * RB, rem_z)],
                        aggr_sh.at[pl.ds((NS - 1) * RB, rem_z)])

    cbase = tid * ncht
    pltpu.sync_copy(src_hbm.at[pl.ds(cbase * CH, ncht * CH)], srcall)
    plsc.subcore_barrier()

    def issue(c, b):
        pltpu.async_copy(x_hbm.at[srcall.at[pl.ds(c * CH, CH)]], xbs[b],
                         gs[b])
        pltpu.async_copy(ea_hbm.at[pl.ds((cbase + c) * (CH // 2), CH // 2)],
                         ebs[b], es[b])
        pltpu.async_copy(dst_hbm.at[pl.ds((cbase + c) * CH, CH)], dbs[b],
                         ds[b])

    def wait_in(c, b):
        pltpu.make_async_copy(x_hbm.at[srcall.at[pl.ds(c * CH, CH)]],
                              xbs[b], gs[b]).wait()
        pltpu.make_async_copy(
            ea_hbm.at[pl.ds((cbase + c) * (CH // 2), CH // 2)],
            ebs[b], es[b]).wait()
        pltpu.make_async_copy(dst_hbm.at[pl.ds((cbase + c) * CH, CH)],
                              dbs[b], ds[b]).wait()

    mask_hi = jnp.full((LANES,), -65536, jnp.int32)
    shift16 = jnp.full((LANES,), 16, jnp.int32)

    def compute(b):
        xb, eb = xbs[b], ebs[b]

        def row_body(r, carry):
            for half in range(2):
                xr = half * (CH // 2) + r
                for k in range(D // 32):
                    ev = eb[r, pl.ds(half * (D // 2) + k * LANES, LANES)]
                    elo = lax.bitcast_convert_type(
                        lax.shift_left(ev, shift16), jnp.float32)
                    ehi = lax.bitcast_convert_type(
                        lax.bitwise_and(ev, mask_hi), jnp.float32)
                    slo = pl.ds(k * 32, LANES)
                    shi = pl.ds(k * 32 + LANES, LANES)
                    xb[xr, slo] = jnp.maximum(xb[xr, slo] + elo, 0.0)
                    xb[xr, shi] = jnp.maximum(xb[xr, shi] + ehi, 0.0)
            return carry

        lax.fori_loop(0, CH // 2, row_body, 0)

    def scatter(b):
        pltpu.async_copy(xbs[b], aggr_sh.at[dbs[b]], ss[b], add=True)

    def wait_scatter(b):
        pltpu.make_async_copy(xbs[b], aggr_sh.at[dbs[b]], ss[b]).wait()

    issue(0, 0)

    def step(s, carry):
        c0 = s * 2

        @pl.when(s > 0)
        def _():
            wait_scatter(1)

        issue(c0 + 1, 1)
        wait_in(c0, 0)
        compute(0)
        scatter(0)

        wait_scatter(0)
        issue(c0 + 2, 0)
        wait_in(c0 + 1, 1)
        compute(1)
        scatter(1)
        return carry

    lax.fori_loop(0, (ncht - 1) // 2, step, 0)

    cl = ncht - 1
    wait_scatter(1)
    wait_in(cl, 0)
    compute(0)
    scatter(0)
    wait_scatter(0)
    plsc.subcore_barrier()

    @pl.when(sid < NS - 1)
    def _():
        pltpu.sync_copy(aggr_sh.at[pl.ds(sid * RB, RB)],
                        out_hbm.at[cid].at[pl.ds(sid * RB, RB)])

    @pl.when(sid == NS - 1)
    def _():
        pltpu.sync_copy(aggr_sh.at[pl.ds((NS - 1) * RB, rem_o)],
                        out_hbm.at[cid].at[pl.ds((NS - 1) * RB, rem_o)])


def _sc_edge_agg(src, dst, ea, x):
    N, D = x.shape
    ncht = src.shape[0] // (NC * NS * CH)
    assert (ncht - 1) % 2 == 0
    zeros = jnp.zeros((N, D), jnp.float32)
    mesh = plsc.VectorSubcoreMesh(
        core_axis_name="c", subcore_axis_name="s", num_cores=NC,
        num_subcores=NS)
    f = pl.kernel(
        functools.partial(_sc_edge_body, N, ncht),
        out_type=jax.ShapeDtypeStruct((NC, N, D), jnp.float32),
        mesh=mesh,
        scratch_types=(
            [pltpu.VMEM((ncht * CH,), jnp.int32)]
            + [pltpu.VMEM((CH,), jnp.int32) for _ in range(2)]
            + [pltpu.VMEM((CH, D), jnp.float32) for _ in range(2)]
            + [pltpu.VMEM((CH // 2, D), jnp.int32) for _ in range(2)]
            + [pltpu.VMEM_SHARED((N, D), jnp.float32)]
            + [pltpu.SemaphoreType.DMA for _ in range(8)]
        ),
    )
    return f(src, dst, ea, x, zeros)


def _mlp_body(x_ref, a0_ref, a1_ref, w1_ref, b1_ref, w2_ref, b2_ref,
              wg1_ref, bg1_ref, wg2_ref, bg2_ref, h_ref, g_ref):
    h0 = x_ref[...] + a0_ref[0] + a1_ref[0]
    t = jnp.maximum(
        jnp.dot(h0, w1_ref[...], preferred_element_type=jnp.float32)
        + b1_ref[...], 0.0)
    h = (jnp.dot(t, w2_ref[...], preferred_element_type=jnp.float32)
         + b2_ref[...])
    h_ref[...] = h
    gt = jnp.maximum(
        jnp.dot(h, wg1_ref[...], preferred_element_type=jnp.float32)
        + bg1_ref[...], 0.0)
    g_ref[...] = (jnp.dot(gt, wg2_ref[...], preferred_element_type=jnp.float32)
                  + bg2_ref[...])


def _node_mlp(x, aggr2, W1, b1, W2, b2, Wg1, bg1, Wg2, bg2):
    N, D = x.shape
    H = W1.shape[1]
    GD = Wg1.shape[1]
    BN = 2000
    grid = (N // BN,)
    return pl.pallas_call(
        _mlp_body,
        grid=grid,
        in_specs=[
            pl.BlockSpec((BN, D), lambda i: (i, 0)),
            pl.BlockSpec((1, BN, D), lambda i: (0, i, 0)),
            pl.BlockSpec((1, BN, D), lambda i: (1, i, 0)),
            pl.BlockSpec((D, H), lambda i: (0, 0)),
            pl.BlockSpec((1, H), lambda i: (0, 0)),
            pl.BlockSpec((H, H), lambda i: (0, 0)),
            pl.BlockSpec((1, H), lambda i: (0, 0)),
            pl.BlockSpec((H, GD), lambda i: (0, 0)),
            pl.BlockSpec((1, GD), lambda i: (0, 0)),
            pl.BlockSpec((GD, 1), lambda i: (0, 0)),
            pl.BlockSpec((1, 1), lambda i: (0, 0)),
        ],
        out_specs=[
            pl.BlockSpec((BN, H), lambda i: (i, 0)),
            pl.BlockSpec((BN, 1), lambda i: (i, 0)),
        ],
        out_shape=[
            jax.ShapeDtypeStruct((N, H), jnp.float32),
            jax.ShapeDtypeStruct((N, 1), jnp.float32),
        ],
    )(x, aggr2, aggr2, W1, b1.reshape(1, H), W2, b2.reshape(1, H),
      Wg1, bg1.reshape(1, GD), Wg2, bg2.reshape(1, 1))


def _pool_body(n_groups, h_ref, g_ref, b_ref, wh_ref, bh_ref,
               logits_ref, pooled_ref):
    g = g_ref[...]
    bid = b_ref[...]
    N = g.shape[0]
    gidx = lax.broadcasted_iota(jnp.int32, (N, n_groups), 1)
    mask = bid == gidx
    gmax = jnp.max(jnp.where(mask, g, -jnp.inf), axis=0, keepdims=True)
    gmax = jnp.where(gmax > -3e38, gmax, 0.0)
    gmax_n = jnp.sum(jnp.where(mask, gmax, 0.0), axis=1, keepdims=True)
    ge = jnp.exp(g - gmax_n)
    gsum = jnp.sum(jnp.where(mask, ge, 0.0), axis=0, keepdims=True)
    gsum_n = jnp.sum(jnp.where(mask, gsum, 0.0), axis=1, keepdims=True)
    alpha = ge / (gsum_n + 1e-16)
    wm = jnp.where(mask, alpha, 0.0)
    pooled = lax.dot_general(wm, h_ref[...], (((0,), (0,)), ((), ())),
                             preferred_element_type=jnp.float32)
    pooled_ref[...] = pooled
    logits_ref[...] = (
        jnp.dot(pooled, wh_ref[...], preferred_element_type=jnp.float32)
        + bh_ref[...])


def _pool_head(h, g, batch, Wh, bh, n_groups):
    N, H = h.shape
    C = Wh.shape[1]
    return pl.pallas_call(
        functools.partial(_pool_body, n_groups),
        out_shape=[
            jax.ShapeDtypeStruct((n_groups, C), jnp.float32),
            jax.ShapeDtypeStruct((n_groups, H), jnp.float32),
        ],
    )(h, g, batch.reshape(N, 1).astype(jnp.int32), Wh, bh.reshape(1, C))


def kernel(x, edge_index, edge_attr, batch, We, be, W1, b1, W2, b2,
           Wg1, bg1, Wg2, bg2, Wh, bh):
    N, D = x.shape
    E, ED = edge_attr.shape
    NW = NC * NS
    EH = E // 2
    CR = CH // 2
    assert E % (CH * NW) == 0
    def reorder(v):
        return jnp.concatenate(
            [v[:EH].reshape(EH // CR, CR), v[EH:].reshape(EH // CR, CR)],
            axis=1).reshape(E)

    src = reorder(edge_index[0])
    dst = reorder(edge_index[1])
    w = jnp.arange(D // 2)
    csel_lo = 32 * (w // 16) + w % 16
    csel_hi = csel_lo + 16
    eap = _edge_proj(edge_attr, We[:, csel_lo], We[:, csel_hi],
                     be[csel_lo], be[csel_hi])
    aggr2 = _sc_edge_agg(src, dst, eap, x)
    h, g = _node_mlp(x, aggr2, W1, b1, W2, b2, Wg1, bg1, Wg2, bg2)
    logits, pooled = _pool_head(h, g, batch, Wh, bh, 64)
    return (logits, pooled)

# --- scband reference (transcript-rebuilt; emitter-appended) ---
"""Pipeline reference for scband-graph-sw-avmodel-72559177499162 (READ-ONLY COPY).

The authoritative reference and input builder live on the scoring server;
editing this copy changes nothing except your own understanding.
"""

import jax, jax.numpy as jnp
import numpy as np


def setup_inputs(seed: int = 0) -> dict:
    key = jax.random.key(seed)
    ks = jax.random.split(key, 12)
    N, E, D, ED, H, C, G = 10000, 320000, 128, 16, 256, 1000, 64
    x = jax.random.normal(ks[0], (N, D), dtype=jnp.float32)
    edge_index = jax.random.randint(ks[1], (2, E), 0, N)
    edge_attr = jax.random.normal(ks[2], (E, ED), dtype=jnp.float32)
    batch = jnp.sort(jax.random.randint(ks[3], (N,), 0, G))
    We = 0.05 * jax.random.normal(ks[4], (ED, D), dtype=jnp.float32)
    be = jnp.zeros((D,), dtype=jnp.float32)
    W1 = 0.05 * jax.random.normal(ks[5], (D, H), dtype=jnp.float32)
    b1 = jnp.zeros((H,), dtype=jnp.float32)
    W2 = 0.05 * jax.random.normal(ks[6], (H, H), dtype=jnp.float32)
    b2 = jnp.zeros((H,), dtype=jnp.float32)
    Wg1 = 0.05 * jax.random.normal(ks[7], (H, 128), dtype=jnp.float32)
    bg1 = jnp.zeros((128,), dtype=jnp.float32)
    Wg2 = 0.05 * jax.random.normal(ks[8], (128, 1), dtype=jnp.float32)
    bg2 = jnp.zeros((1,), dtype=jnp.float32)
    Wh = 0.05 * jax.random.normal(ks[9], (H, C), dtype=jnp.float32)
    bh = jnp.zeros((C,), dtype=jnp.float32)
    return {"x": x, "edge_index": edge_index, "edge_attr": edge_attr, "batch": batch,
            "We": We, "be": be, "W1": W1, "b1": b1, "W2": W2, "b2": b2,
            "Wg1": Wg1, "bg1": bg1, "Wg2": Wg2, "bg2": bg2, "Wh": Wh, "bh": bh}


def reference(x, edge_index, edge_attr, batch, We, be, W1, b1, W2, b2, Wg1, bg1, Wg2, bg2, Wh, bh):
    N = x.shape[0]
    G = 64
    src = edge_index[0]
    dst = edge_index[1]
    # GINEConv: project edge_attr (edge_dim -> in_channels), message = relu(x_j + e)
    ea = edge_attr.astype(jnp.float32) @ We + be
    m = jax.nn.relu(x[src] + ea)
    aggr = jax.ops.segment_sum(m, dst, num_segments=N)
    h0 = (1.0 + 0.0) * x + aggr  # eps = 0 default
    # nn: Linear(D,H) -> ReLU -> Linear(H,H)
    h = jax.nn.relu(h0 @ W1 + b1) @ W2 + b2
    # GlobalAttention: gate_nn = Linear(H,128)->ReLU->Linear(128,1), segment softmax over batch
    gate = jax.nn.relu(h @ Wg1 + bg1) @ Wg2 + bg2
    g = gate[:, 0]
    gmax = jax.ops.segment_max(g, batch, num_segments=G)
    gmax = jnp.where(jnp.isfinite(gmax), gmax, 0.0)
    gexp = jnp.exp(g - gmax[batch])
    gsum = jax.ops.segment_sum(gexp, batch, num_segments=G)
    alpha = gexp / (gsum[batch] + 1e-16)
    pooled = jax.ops.segment_sum(alpha[:, None] * h, batch, num_segments=G)
    logits = pooled @ Wh + bh
    return (logits, pooled)

if __name__ == "__main__":
    import jax
    _d = setup_inputs()
    print(jax.jit(kernel)(*tuple(_d.values())))

</pallas_src>

<mosaic_0001>
#map = affine_map<(d0, d1) -> (0)>
#map1 = affine_map<(d0, d1) -> (0, 0)>
#map2 = affine_map<(d0, d1) -> (0, 0, 0)>
module attributes {stable_mosaic.version = 14 : i64} {
  func.func @_sc_edge_body(%arg0: i32, %arg1: i32, %arg2: memref<320000xi32, #tpu.memory_space<hbm>>, %arg3: memref<320000xi32, #tpu.memory_space<hbm>>, %arg4: memref<160000x128xi32, #tpu.memory_space<hbm>>, %arg5: memref<10000x128xf32, #tpu.memory_space<hbm>>, %arg6: memref<10000x128xf32, #tpu.memory_space<hbm>>, %arg7: memref<2x10000x128xf32, #tpu.memory_space<hbm>>, %arg8: memref<10000xi32, #tpu.memory_space<vmem>>, %arg9: memref<80xi32, #tpu.memory_space<vmem>>, %arg10: memref<80xi32, #tpu.memory_space<vmem>>, %arg11: memref<80x128xf32, #tpu.memory_space<vmem>>, %arg12: memref<80x128xf32, #tpu.memory_space<vmem>>, %arg13: memref<40x128xi32, #tpu.memory_space<vmem>>, %arg14: memref<40x128xi32, #tpu.memory_space<vmem>>, %arg15: memref<10000x128xf32, #tpu.memory_space<vmem_shared>>, %arg16: memref<!tpu.dma_semaphore, #tpu.memory_space<semaphore_mem>>, %arg17: memref<!tpu.dma_semaphore, #tpu.memory_space<semaphore_mem>>, %arg18: memref<!tpu.dma_semaphore, #tpu.memory_space<semaphore_mem>>, %arg19: memref<!tpu.dma_semaphore, #tpu.memory_space<semaphore_mem>>, %arg20: memref<!tpu.dma_semaphore, #tpu.memory_space<semaphore_mem>>, %arg21: memref<!tpu.dma_semaphore, #tpu.memory_space<semaphore_mem>>, %arg22: memref<!tpu.dma_semaphore, #tpu.memory_space<semaphore_mem>>, %arg23: memref<!tpu.dma_semaphore, #tpu.memory_space<semaphore_mem>>) attributes {dimension_semantics = [#tpu.dimension_semantics<core_parallel>, #tpu.dimension_semantics<subcore_parallel>], iteration_bounds = array<i64: 2, 16>, scalar_prefetch = 0 : i64, scratch_operands = 16 : i64, tpu.core_type = #tpu.core_type<sc_vector_subcore>, window_params = [{transform_indices = #map}, {transform_indices = #map}, {transform_indices = #map1}, {transform_indices = #map1}, {transform_indices = #map1}, {transform_indices = #map2}]} {
    %mul3A = arith.constant 16 : i32
    %mul3A_0 = arith.muli %arg0, %mul3A : i32
    %add3A = arith.addi %mul3A_0, %arg1 : i32
    %lt3A = arith.constant 15 : i32
    %lt3A_1 = arith.cmpi slt, %arg1, %lt3A : i32
    %convert_element_type3A = arith.extui %lt3A_1 : i1 to i32
    %cond3A = arith.constant 0 : i32
    %cond3A_2 = arith.cmpi ne, %convert_element_type3A, %cond3A : i32
    scf.if %cond3A_2 {
      %mul3A_81 = arith.constant 640 : i32
      %mul3A_82 = arith.muli %arg1, %mul3A_81 : i32
      %mul3A_83 = arith.constant 640 : i32
      %mul3A_84 = arith.muli %arg1, %mul3A_83 : i32
      "tpu.region"() ({
        %run_scoped3A = tpu.sem_alloc : memref<!tpu.dma_semaphore, #tpu.memory_space<semaphore_mem>>
        %dma_start3A_85 = arith.constant 0 : i32
        %dma_start3A_86 = tpu.memref_slice %arg15[%mul3A_84, %dma_start3A_85] : memref<10000x128xf32, #tpu.memory_space<vmem_shared>> -> memref<640x128xf32, #tpu.memory_space<vmem_shared>>
        %dma_start3A_87 = arith.constant 0 : i32
        %dma_start3A_88 = tpu.memref_slice %arg6[%mul3A_82, %dma_start3A_87] : memref<10000x128xf32, #tpu.memory_space<hbm>> -> memref<640x128xf32, #tpu.memory_space<hbm>>
        tpu.enqueue_dma source(%dma_start3A_88 : memref<640x128xf32, #tpu.memory_space<hbm>>) target(%dma_start3A_86 : memref<640x128xf32, #tpu.memory_space<vmem_shared>>) target_semaphore(%run_scoped3A : memref<!tpu.dma_semaphore, #tpu.memory_space<semaphore_mem>>)
        %dma_wait3A_89 = arith.constant 0 : i32
        %dma_wait3A_90 = tpu.memref_slice %arg15[%mul3A_84, %dma_wait3A_89] : memref<10000x128xf32, #tpu.memory_space<vmem_shared>> -> memref<640x128xf32, #tpu.memory_space<vmem_shared>>
        %dma_wait3A_91 = arith.constant 0 : i32
        %dma_wait3A_92 = tpu.memref_slice %arg6[%mul3A_82, %dma_wait3A_91] : memref<10000x128xf32, #tpu.memory_space<hbm>> -> memref<640x128xf32, #tpu.memory_space<hbm>>
        tpu.wait_dma2 semaphore(%run_scoped3A : memref<!tpu.dma_semaphore, #tpu.memory_space<semaphore_mem>>) src(%dma_wait3A_92 : memref<640x128xf32, #tpu.memory_space<hbm>>) dst(%dma_wait3A_90 : memref<640x128xf32, #tpu.memory_space<vmem_shared>>)
        tpu.yield
      }) : () -> ()
    } else {
    }
    %eq3A = arith.constant 15 : i32
    %eq3A_3 = arith.cmpi eq, %arg1, %eq3A : i32
    %convert_element_type3A_4 = arith.extui %eq3A_3 : i1 to i32
    %cond3A_5 = arith.constant 0 : i32
    %cond3A_6 = arith.cmpi ne, %convert_element_type3A_4, %cond3A_5 : i32
    scf.if %cond3A_6 {
      "tpu.region"() ({
        %run_scoped3A = tpu.sem_alloc : memref<!tpu.dma_semaphore, #tpu.memory_space<semaphore_mem>>
        %dma_start3A_81 = arith.constant 9600 : i32
        %dma_start3A_82 = arith.constant 0 : i32
        %dma_start3A_83 = tpu.memref_slice %arg15[%dma_start3A_81, %dma_start3A_82] : memref<10000x128xf32, #tpu.memory_space<vmem_shared>> -> memref<400x128xf32, #tpu.memory_space<vmem_shared>>
        %dma_start3A_84 = arith.constant 9600 : i32
        %dma_start3A_85 = arith.constant 0 : i32
        %dma_start3A_86 = tpu.memref_slice %arg6[%dma_start3A_84, %dma_start3A_85] : memref<10000x128xf32, #tpu.memory_space<hbm>> -> memref<400x128xf32, #tpu.memory_space<hbm>>
        tpu.enqueue_dma source(%dma_start3A_86 : memref<400x128xf32, #tpu.memory_space<hbm>>) target(%dma_start3A_83 : memref<400x128xf32, #tpu.memory_space<vmem_shared>>) target_semaphore(%run_scoped3A : memref<!tpu.dma_semaphore, #tpu.memory_space<semaphore_mem>>)
        %dma_wait3A_87 = arith.constant 9600 : i32
        %dma_wait3A_88 = arith.constant 0 : i32
        %dma_wait3A_89 = tpu.memref_slice %arg15[%dma_wait3A_87, %dma_wait3A_88] : memref<10000x128xf32, #tpu.memory_space<vmem_shared>> -> memref<400x128xf32, #tpu.memory_space<vmem_shared>>
        %dma_wait3A_90 = arith.constant 9600 : i32
        %dma_wait3A_91 = arith.constant 0 : i32
        %dma_wait3A_92 = tpu.memref_slice %arg6[%dma_wait3A_90, %dma_wait3A_91] : memref<10000x128xf32, #tpu.memory_space<hbm>> -> memref<400x128xf32, #tpu.memory_space<hbm>>
        tpu.wait_dma2 semaphore(%run_scoped3A : memref<!tpu.dma_semaphore, #tpu.memory_space<semaphore_mem>>) src(%dma_wait3A_92 : memref<400x128xf32, #tpu.memory_space<hbm>>) dst(%dma_wait3A_89 : memref<400x128xf32, #tpu.memory_space<vmem_shared>>)
        tpu.yield
      }) : () -> ()
    } else {
    }
    %mul3A_7 = arith.constant 125 : i32
    %mul3A_8 = arith.muli %add3A, %mul3A_7 : i32
    %mul3A_9 = arith.constant 80 : i32
    %mul3A_10 = arith.muli %mul3A_8, %mul3A_9 : i32
    "tpu.region"() ({
      %run_scoped3A = tpu.sem_alloc : memref<!tpu.dma_semaphore, #tpu.memory_space<semaphore_mem>>
      %dma_start3A_81 = tpu.memref_slice %arg2[%mul3A_10] : memref<320000xi32, #tpu.memory_space<hbm>> -> memref<10000xi32, #tpu.memory_space<hbm>>
      %dma_start3A_82 = tpu.memref_slice %arg2[%mul3A_10] : memref<320000xi32, #tpu.memory_space<hbm>> -> memref<10000xi32, #tpu.memory_space<hbm>>
      tpu.enqueue_dma source(%dma_start3A_82 : memref<10000xi32, #tpu.memory_space<hbm>>) target(%arg8 : memref<10000xi32, #tpu.memory_space<vmem>>) target_semaphore(%run_scoped3A : memref<!tpu.dma_semaphore, #tpu.memory_space<semaphore_mem>>)
      %dma_wait3A_83 = tpu.memref_slice %arg2[%mul3A_10] : memref<320000xi32, #tpu.memory_space<hbm>> -> memref<10000xi32, #tpu.memory_space<hbm>>
      %dma_wait3A_84 = tpu.memref_slice %arg2[%mul3A_10] : memref<320000xi32, #tpu.memory_space<hbm>> -> memref<10000xi32, #tpu.memory_space<hbm>>
      tpu.wait_dma2 semaphore(%run_scoped3A : memref<!tpu.dma_semaphore, #tpu.memory_space<semaphore_mem>>) src(%dma_wait3A_84 : memref<10000xi32, #tpu.memory_space<hbm>>) dst(%arg8 : memref<10000xi32, #tpu.memory_space<vmem>>)
      tpu.yield
    }) : () -> ()
    %barrier3A = arith.constant 0 : index
    tpu.barrier barrier_id(%barrier3A)
    %broadcast_in_dim3A = arith.constant -65536 : i32
    %broadcast_in_dim3A_11 = vector.broadcast %broadcast_in_dim3A : i32 to vector<16xi32>
    %broadcast_in_dim3A_12 = arith.constant 16 : i32
    %broadcast_in_dim3A_13 = vector.broadcast %broadcast_in_dim3A_12 : i32 to vector<16xi32>
    %dma_start3A = arith.constant 0 : i32
    %dma_start3A_14 = tpu.memref_slice %arg8[%dma_start3A] : memref<10000xi32, #tpu.memory_space<vmem>> -> memref<80xi32, #tpu.memory_space<vmem>>
    %dma_start3A_15 = arith.constant 0 : i32
    %dma_start3A_16 = arith.constant 0 : i32
    %dma_start3A_17 = tpu.memref_slice %arg5[%dma_start3A_15, %dma_start3A_16] : memref<10000x128xf32, #tpu.memory_space<hbm>> -> memref<10000x128xf32, #tpu.memory_space<hbm>>
    tpu.enqueue_indirect_dma source(%dma_start3A_17 : memref<10000x128xf32, #tpu.memory_space<hbm>>) target(%arg11 : memref<80x128xf32, #tpu.memory_space<vmem>>) offsets(%dma_start3A_14 : memref<80xi32, #tpu.memory_space<vmem>>) semaphore(%arg16 : memref<!tpu.dma_semaphore, #tpu.memory_space<semaphore_mem>>)
    %add3A_18 = arith.constant 0 : i32
    %add3A_19 = arith.addi %mul3A_8, %add3A_18 : i32
    %mul3A_20 = arith.constant 40 : i32
    %mul3A_21 = arith.muli %add3A_19, %mul3A_20 : i32
    %dma_start3A_22 = arith.constant 0 : i32
    %dma_start3A_23 = tpu.memref_slice %arg4[%mul3A_21, %dma_start3A_22] : memref<160000x128xi32, #tpu.memory_space<hbm>> -> memref<40x128xi32, #tpu.memory_space<hbm>>
    %dma_start3A_24 = arith.constant 0 : i32
    %dma_start3A_25 = tpu.memref_slice %arg4[%mul3A_21, %dma_start3A_24] : memref<160000x128xi32, #tpu.memory_space<hbm>> -> memref<40x128xi32, #tpu.memory_space<hbm>>
    tpu.enqueue_dma source(%dma_start3A_25 : memref<40x128xi32, #tpu.memory_space<hbm>>) target(%arg13 : memref<40x128xi32, #tpu.memory_space<vmem>>) target_semaphore(%arg18 : memref<!tpu.dma_semaphore, #tpu.memory_space<semaphore_mem>>)
    %add3A_26 = arith.constant 0 : i32
    %add3A_27 = arith.addi %mul3A_8, %add3A_26 : i32
    %mul3A_28 = arith.constant 80 : i32
    %mul3A_29 = arith.muli %add3A_27, %mul3A_28 : i32
    %dma_start3A_30 = tpu.memref_slice %arg3[%mul3A_29] : memref<320000xi32, #tpu.memory_space<hbm>> -> memref<80xi32, #tpu.memory_space<hbm>>
    %dma_start3A_31 = tpu.memref_slice %arg3[%mul3A_29] : memref<320000xi32, #tpu.memory_space<hbm>> -> memref<80xi32, #tpu.memory_space<hbm>>
    tpu.enqueue_dma source(%dma_start3A_31 : memref<80xi32, #tpu.memory_space<hbm>>) target(%arg9 : memref<80xi32, #tpu.memory_space<vmem>>) target_semaphore(%arg20 : memref<!tpu.dma_semaphore, #tpu.memory_space<semaphore_mem>>)
    %scan3A = arith.constant 0 : i32
    %scan3A_32 = arith.constant 0 : i32
    %scan3A_33 = arith.constant 62 : i32
    %scan3A_34 = arith.addi %scan3A_32, %scan3A_33 : i32
    %scan3A_35 = arith.constant 1 : i32
    scf.for %scan3A_81 = %scan3A_32 to %scan3A_34 step %scan3A_35  : i32 {
      %mul3A_82 = arith.constant 2 : i32
      %mul3A_83 = arith.muli %scan3A_81, %mul3A_82 : i32
      %gt3A = arith.constant 0 : i32
      %gt3A_84 = arith.cmpi sgt, %scan3A_81, %gt3A : i32
      %convert_element_type3A_85 = arith.extui %gt3A_84 : i1 to i32
      %cond3A_86 = arith.constant 0 : i32
      %cond3A_87 = arith.cmpi ne, %convert_element_type3A_85, %cond3A_86 : i32
      scf.if %cond3A_87 {
        %dma_wait3A_187 = arith.constant 0 : i32
        %dma_wait3A_188 = arith.constant 0 : i32
        %dma_wait3A_189 = tpu.memref_slice %arg15[%dma_wait3A_187, %dma_wait3A_188] : memref<10000x128xf32, #tpu.memory_space<vmem_shared>> -> memref<10000x128xf32, #tpu.memory_space<vmem_shared>>
        tpu.wait_indirect_dma semaphore(%arg23 : memref<!tpu.dma_semaphore, #tpu.memory_space<semaphore_mem>>) src(%arg12 : memref<80x128xf32, #tpu.memory_space<vmem>>) dst(%dma_wait3A_189 : memref<10000x128xf32, #tpu.memory_space<vmem_shared>>)
      } else {
      }
      %add3A_88 = arith.constant 1 : i32
      %add3A_89 = arith.addi %mul3A_83, %add3A_88 : i32
      %mul3A_90 = arith.constant 80 : i32
      %mul3A_91 = arith.muli %add3A_89, %mul3A_90 : i32
      %dma_start3A_92 = tpu.memref_slice %arg8[%mul3A_91] : memref<10000xi32, #tpu.memory_space<vmem>> -> memref<80xi32, #tpu.memory_space<vmem>>
      %dma_start3A_93 = arith.constant 0 : i32
      %dma_start3A_94 = arith.constant 0 : i32
      %dma_start3A_95 = tpu.memref_slice %arg5[%dma_start3A_93, %dma_start3A_94] : memref<10000x128xf32, #tpu.memory_space<hbm>> -> memref<10000x128xf32, #tpu.memory_space<hbm>>
      tpu.enqueue_indirect_dma source(%dma_start3A_95 : memref<10000x128xf32, #tpu.memory_space<hbm>>) target(%arg12 : memref<80x128xf32, #tpu.memory_space<vmem>>) offsets(%dma_start3A_92 : memref<80xi32, #tpu.memory_space<vmem>>) semaphore(%arg17 : memref<!tpu.dma_semaphore, #tpu.memory_space<semaphore_mem>>)
      %add3A_96 = arith.addi %mul3A_8, %add3A_89 : i32
      %mul3A_97 = arith.constant 40 : i32
      %mul3A_98 = arith.muli %add3A_96, %mul3A_97 : i32
      %dma_start3A_99 = arith.constant 0 : i32
      %dma_start3A_100 = tpu.memref_slice %arg4[%mul3A_98, %dma_start3A_99] : memref<160000x128xi32, #tpu.memory_space<hbm>> -> memref<40x128xi32, #tpu.memory_space<hbm>>
      %dma_start3A_101 = arith.constant 0 : i32
      %dma_start3A_102 = tpu.memref_slice %arg4[%mul3A_98, %dma_start3A_101] : memref<160000x128xi32, #tpu.memory_space<hbm>> -> memref<40x128xi32, #tpu.memory_space<hbm>>
      tpu.enqueue_dma source(%dma_start3A_102 : memref<40x128xi32, #tpu.memory_space<hbm>>) target(%arg14 : memref<40x128xi32, #tpu.memory_space<vmem>>) target_semaphore(%arg19 : memref<!tpu.dma_semaphore, #tpu.memory_space<semaphore_mem>>)
      %add3A_103 = arith.addi %mul3A_8, %add3A_89 : i32
      %mul3A_104 = arith.constant 80 : i32
      %mul3A_105 = arith.muli %add3A_103, %mul3A_104 : i32
      %dma_start3A_106 = tpu.memref_slice %arg3[%mul3A_105] : memref<320000xi32, #tpu.memory_space<hbm>> -> memref<80xi32, #tpu.memory_space<hbm>>
      %dma_start3A_107 = tpu.memref_slice %arg3[%mul3A_105] : memref<320000xi32, #tpu.memory_space<hbm>> -> memref<80xi32, #tpu.memory_space<hbm>>
      tpu.enqueue_dma source(%dma_start3A_107 : memref<80xi32, #tpu.memory_space<hbm>>) target(%arg10 : memref<80xi32, #tpu.memory_space<vmem>>) target_semaphore(%arg21 : memref<!tpu.dma_semaphore, #tpu.memory_space<semaphore_mem>>)
      %mul3A_108 = arith.constant 80 : i32
      %mul3A_109 = arith.muli %mul3A_83, %mul3A_108 : i32
      %dma_wait3A_110 = tpu.memref_slice %arg8[%mul3A_109] : memref<10000xi32, #tpu.memory_space<vmem>> -> memref<80xi32, #tpu.memory_space<vmem>>
      %dma_wait3A_111 = arith.constant 0 : i32
      %dma_wait3A_112 = arith.constant 0 : i32
      %dma_wait3A_113 = tpu.memref_slice %arg5[%dma_wait3A_111, %dma_wait3A_112] : memref<10000x128xf32, #tpu.memory_space<hbm>> -> memref<10000x128xf32, #tpu.memory_space<hbm>>
      tpu.wait_indirect_dma semaphore(%arg16 : memref<!tpu.dma_semaphore, #tpu.memory_space<semaphore_mem>>) src(%dma_wait3A_113 : memref<10000x128xf32, #tpu.memory_space<hbm>>) dst(%arg11 : memref<80x128xf32, #tpu.memory_space<vmem>>)
      %add3A_114 = arith.addi %mul3A_8, %mul3A_83 : i32
      %mul3A_115 = arith.constant 40 : i32
      %mul3A_116 = arith.muli %add3A_114, %mul3A_115 : i32
      %dma_wait3A_117 = arith.constant 0 : i32
      %dma_wait3A_118 = tpu.memref_slice %arg4[%mul3A_116, %dma_wait3A_117] : memref<160000x128xi32, #tpu.memory_space<hbm>> -> memref<40x128xi32, #tpu.memory_space<hbm>>
      %dma_wait3A_119 = arith.constant 0 : i32
      %dma_wait3A_120 = tpu.memref_slice %arg4[%mul3A_116, %dma_wait3A_119] : memref<160000x128xi32, #tpu.memory_space<hbm>> -> memref<40x128xi32, #tpu.memory_space<hbm>>
      tpu.wait_dma2 semaphore(%arg18 : memref<!tpu.dma_semaphore, #tpu.memory_space<semaphore_mem>>) src(%dma_wait3A_120 : memref<40x128xi32, #tpu.memory_space<hbm>>) dst(%arg13 : memref<40x128xi32, #tpu.memory_space<vmem>>)
      %add3A_121 = arith.addi %mul3A_8, %mul3A_83 : i32
      %mul3A_122 = arith.constant 80 : i32
      %mul3A_123 = arith.muli %add3A_121, %mul3A_122 : i32
      %dma_wait3A_124 = tpu.memref_slice %arg3[%mul3A_123] : memref<320000xi32, #tpu.memory_space<hbm>> -> memref<80xi32, #tpu.memory_space<hbm>>
      %dma_wait3A_125 = tpu.memref_slice %arg3[%mul3A_123] : memref<320000xi32, #tpu.memory_space<hbm>> -> memref<80xi32, #tpu.memory_space<hbm>>
      tpu.wait_dma2 semaphore(%arg20 : memref<!tpu.dma_semaphore, #tpu.memory_space<semaphore_mem>>) src(%dma_wait3A_125 : memref<80xi32, #tpu.memory_space<hbm>>) dst(%arg9 : memref<80xi32, #tpu.memory_space<vmem>>)
      %scan3A_126 = arith.constant 0 : i32
      %scan3A_127 = arith.constant 0 : i32
      %scan3A_128 = arith.constant 40 : i32
      %scan3A_129 = arith.addi %scan3A_127, %scan3A_128 : i32
      %scan3A_130 = arith.constant 1 : i32
      scf.for %scan3A_187 = %scan3A_127 to %scan3A_129 step %scan3A_130  : i32 {
        %add3A_188 = arith.constant 0 : i32
        %add3A_189 = arith.addi %add3A_188, %scan3A_187 : i32
        %get3A = arith.index_cast %scan3A_187 : i32 to index
        %get3A_190 = arith.constant 0 : index
        %get3A_191 = tpu.vector_load %arg13[%get3A, %get3A_190] {strides = array<i32>} : memref<40x128xi32, #tpu.memory_space<vmem>>, vector<1x16xi32>,
        %get3A_192 = vector.shape_cast %get3A_191 : vector<1x16xi32> to vector<16xi32>
        %shift_left3A = arith.shli %get3A_192, %broadcast_in_dim3A_13 : vector<16xi32>
        %bitcast_convert_type3A = tpu.bitcast %shift_left3A : vector<16xi32> -> vector<16xf32>
        %and3A = arith.andi %get3A_192, %broadcast_in_dim3A_11 : vector<16xi32>
        %bitcast_convert_type3A_193 = tpu.bitcast %and3A : vector<16xi32> -> vector<16xf32>
        %get3A_194 = arith.index_cast %add3A_189 : i32 to index
        %get3A_195 = arith.constant 0 : index
        %get3A_196 = tpu.vector_load %arg11[%get3A_194, %get3A_195] {strides = array<i32>} : memref<80x128xf32, #tpu.memory_space<vmem>>, vector<1x16xf32>,
        %get3A_197 = vector.shape_cast %get3A_196 : vector<1x16xf32> to vector<16xf32>
        %add3A_198 = arith.addf %get3A_197, %bitcast_convert_type3A : vector<16xf32>
        %max3A = arith.constant 0.000000e+00 : f32
        %max3A_199 = vector.broadcast %max3A : f32 to vector<16xf32>
        %max3A_200 = arith.maximumf %add3A_198, %max3A_199 : vector<16xf32>
        %swap3A = arith.index_cast %add3A_189 : i32 to index
        %swap3A_201 = arith.constant 0 : index
        %swap3A_202 = tpu.vector_load %arg11[%swap3A, %swap3A_201] {strides = array<i32>} : memref<80x128xf32, #tpu.memory_space<vmem>>, vector<1x16xf32>,
        %swap3A_203 = vector.shape_cast %swap3A_202 : vector<1x16xf32> to vector<16xf32>
        %swap3A_204 = vector.shape_cast %max3A_200 : vector<16xf32> to vector<1x16xf32>
        tpu.vector_store %arg11[%swap3A, %swap3A_201], %swap3A_204 {strides = array<i32>} : memref<80x128xf32, #tpu.memory_space<vmem>>, vector<1x16xf32>,
        %get3A_205 = arith.index_cast %add3A_189 : i32 to index
        %get3A_206 = arith.constant 16 : index
        %get3A_207 = tpu.vector_load %arg11[%get3A_205, %get3A_206] {strides = array<i32>} : memref<80x128xf32, #tpu.memory_space<vmem>>, vector<1x16xf32>,
        %get3A_208 = vector.shape_cast %get3A_207 : vector<1x16xf32> to vector<16xf32>
        %add3A_209 = arith.addf %get3A_208, %bitcast_convert_type3A_193 : vector<16xf32>
        %max3A_210 = arith.constant 0.000000e+00 : f32
        %max3A_211 = vector.broadcast %max3A_210 : f32 to vector<16xf32>
        %max3A_212 = arith.maximumf %add3A_209, %max3A_211 : vector<16xf32>
        %swap3A_213 = arith.index_cast %add3A_189 : i32 to index
        %swap3A_214 = arith.constant 16 : index
        %swap3A_215 = tpu.vector_load %arg11[%swap3A_213, %swap3A_214] {strides = array<i32>} : memref<80x128xf32, #tpu.memory_space<vmem>>, vector<1x16xf32>,
        %swap3A_216 = vector.shape_cast %swap3A_215 : vector<1x16xf32> to vector<16xf32>
        %swap3A_217 = vector.shape_cast %max3A_212 : vector<16xf32> to vector<1x16xf32>
        tpu.vector_store %arg11[%swap3A_213, %swap3A_214], %swap3A_217 {strides = array<i32>} : memref<80x128xf32, #tpu.memory_space<vmem>>, vector<1x16xf32>,
        %get3A_218 = arith.index_cast %scan3A_187 : i32 to index
        %get3A_219 = arith.constant 16 : index
        %get3A_220 = tpu.vector_load %arg13[%get3A_218, %get3A_219] {strides = array<i32>} : memref<40x128xi32, #tpu.memory_space<vmem>>, vector<1x16xi32>,
        %get3A_221 = vector.shape_cast %get3A_220 : vector<1x16xi32> to vector<16xi32>
        %shift_left3A_222 = arith.shli %get3A_221, %broadcast_in_dim3A_13 : vector<16xi32>
        %bitcast_convert_type3A_223 = tpu.bitcast %shift_left3A_222 : vector<16xi32> -> vector<16xf32>
        %and3A_224 = arith.andi %get3A_221, %broadcast_in_dim3A_11 : vector<16xi32>
        %bitcast_convert_type3A_225 = tpu.bitcast %and3A_224 : vector<16xi32> -> vector<16xf32>
        %get3A_226 = arith.index_cast %add3A_189 : i32 to index
        %get3A_227 = arith.constant 32 : index
        %get3A_228 = tpu.vector_load %arg11[%get3A_226, %get3A_227] {strides = array<i32>} : memref<80x128xf32, #tpu.memory_space<vmem>>, vector<1x16xf32>,
        %get3A_229 = vector.shape_cast %get3A_228 : vector<1x16xf32> to vector<16xf32>
        %add3A_230 = arith.addf %get3A_229, %bitcast_convert_type3A_223 : vector<16xf32>
        %max3A_231 = arith.constant 0.000000e+00 : f32
        %max3A_232 = vector.broadcast %max3A_231 : f32 to vector<16xf32>
        %max3A_233 = arith.maximumf %add3A_230, %max3A_232 : vector<16xf32>
        %swap3A_234 = arith.index_cast %add3A_189 : i32 to index
        %swap3A_235 = arith.constant 32 : index
        %swap3A_236 = tpu.vector_load %arg11[%swap3A_234, %swap3A_235] {strides = array<i32>} : memref<80x128xf32, #tpu.memory_space<vmem>>, vector<1x16xf32>,
        %swap3A_237 = vector.shape_cast %swap3A_236 : vector<1x16xf32> to vector<16xf32>
        %swap3A_238 = vector.shape_cast %max3A_233 : vector<16xf32> to vector<1x16xf32>
        tpu.vector_store %arg11[%swap3A_234, %swap3A_235], %swap3A_238 {strides = array<i32>} : memref<80x128xf32, #tpu.memory_space<vmem>>, vector<1x16xf32>,
        %get3A_239 = arith.index_cast %add3A_189 : i32 to index
        %get3A_240 = arith.constant 48 : index
        %get3A_241 = tpu.vector_load %arg11[%get3A_239, %get3A_240] {strides = array<i32>} : memref<80x128xf32, #tpu.memory_space<vmem>>, vector<1x16xf32>,
        %get3A_242 = vector.shape_cast %get3A_241 : vector<1x16xf32> to vector<16xf32>
        %add3A_243 = arith.addf %get3A_242, %bitcast_convert_type3A_225 : vector<16xf32>
        %max3A_244 = arith.constant 0.000000e+00 : f32
        %max3A_245 = vector.broadcast %max3A_244 : f32 to vector<16xf32>
        %max3A_246 = arith.maximumf %add3A_243, %max3A_245 : vector<16xf32>
        %swap3A_247 = arith.index_cast %add3A_189 : i32 to index
        %swap3A_248 = arith.constant 48 : index
        %swap3A_249 = tpu.vector_load %arg11[%swap3A_247, %swap3A_248] {strides = array<i32>} : memref<80x128xf32, #tpu.memory_space<vmem>>, vector<1x16xf32>,
        %swap3A_250 = vector.shape_cast %swap3A_249 : vector<1x16xf32> to vector<16xf32>
        %swap3A_251 = vector.shape_cast %max3A_246 : vector<16xf32> to vector<1x16xf32>
        tpu.vector_store %arg11[%swap3A_247, %swap3A_248], %swap3A_251 {strides = array<i32>} : memref<80x128xf32, #tpu.memory_space<vmem>>, vector<1x16xf32>,
        %get3A_252 = arith.index_cast %scan3A_187 : i32 to index
        %get3A_253 = arith.constant 32 : index
        %get3A_254 = tpu.vector_load %arg13[%get3A_252, %get3A_253] {strides = array<i32>} : memref<40x128xi32, #tpu.memory_space<vmem>>, vector<1x16xi32>,
        %get3A_255 = vector.shape_cast %get3A_254 : vector<1x16xi32> to vector<16xi32>
        %shift_left3A_256 = arith.shli %get3A_255, %broadcast_in_dim3A_13 : vector<16xi32>
        %bitcast_convert_type3A_257 = tpu.bitcast %shift_left3A_256 : vector<16xi32> -> vector<16xf32>
        %and3A_258 = arith.andi %get3A_255, %broadcast_in_dim3A_11 : vector<16xi32>
        %bitcast_convert_type3A_259 = tpu.bitcast %and3A_258 : vector<16xi32> -> vector<16xf32>
        %get3A_260 = arith.index_cast %add3A_189 : i32 to index
        %get3A_261 = arith.constant 64 : index
        %get3A_262 = tpu.vector_load %arg11[%get3A_260, %get3A_261] {strides = array<i32>} : memref<80x128xf32, #tpu.memory_space<vmem>>, vector<1x16xf32>,
        %get3A_263 = vector.shape_cast %get3A_262 : vector<1x16xf32> to vector<16xf32>
        %add3A_264 = arith.addf %get3A_263, %bitcast_convert_type3A_257 : vector<16xf32>
        %max3A_265 = arith.constant 0.000000e+00 : f32
        %max3A_266 = vector.broadcast %max3A_265 : f32 to vector<16xf32>
        %max3A_267 = arith.maximumf %add3A_264, %max3A_266 : vector<16xf32>
        %swap3A_268 = arith.index_cast %add3A_189 : i32 to index
        %swap3A_269 = arith.constant 64 : index
        %swap3A_270 = tpu.vector_load %arg11[%swap3A_268, %swap3A_269] {strides = array<i32>} : memref<80x128xf32, #tpu.memory_space<vmem>>, vector<1x16xf32>,
        %swap3A_271 = vector.shape_cast %swap3A_270 : vector<1x16xf32> to vector<16xf32>
        %swap3A_272 = vector.shape_cast %max3A_267 : vector<16xf32> to vector<1x16xf32>
        tpu.vector_store %arg11[%swap3A_268, %swap3A_269], %swap3A_272 {strides = array<i32>} : memref<80x128xf32, #tpu.memory_space<vmem>>, vector<1x16xf32>,
        %get3A_273 = arith.index_cast %add3A_189 : i32 to index
        %get3A_274 = arith.constant 80 : index
        %get3A_275 = tpu.vector_load %arg11[%get3A_273, %get3A_274] {strides = array<i32>} : memref<80x128xf32, #tpu.memory_space<vmem>>, vector<1x16xf32>,
        %get3A_276 = vector.shape_cast %get3A_275 : vector<1x16xf32> to vector<16xf32>
        %add3A_277 = arith.addf %get3A_276, %bitcast_convert_type3A_259 : vector<16xf32>
        %max3A_278 = arith.constant 0.000000e+00 : f32
        %max3A_279 = vector.broadcast %max3A_278 : f32 to vector<16xf32>
        %max3A_280 = arith.maximumf %add3A_277, %max3A_279 : vector<16xf32>
        %swap3A_281 = arith.index_cast %add3A_189 : i32 to index
        %swap3A_282 = arith.constant 80 : index
        %swap3A_283 = tpu.vector_load %arg11[%swap3A_281, %swap3A_282] {strides = array<i32>} : memref<80x128xf32, #tpu.memory_space<vmem>>, vector<1x16xf32>,
        %swap3A_284 = vector.shape_cast %swap3A_283 : vector<1x16xf32> to vector<16xf32>
        %swap3A_285 = vector.shape_cast %max3A_280 : vector<16xf32> to vector<1x16xf32>
        tpu.vector_store %arg11[%swap3A_281, %swap3A_282], %swap3A_285 {strides = array<i32>} : memref<80x128xf32, #tpu.memory_space<vmem>>, vector<1x16xf32>,
        %get3A_286 = arith.index_cast %scan3A_187 : i32 to index
        %get3A_287 = arith.constant 48 : index
        %get3A_288 = tpu.vector_load %arg13[%get3A_286, %get3A_287] {strides = array<i32>} : memref<40x128xi32, #tpu.memory_space<vmem>>, vector<1x16xi32>,
        %get3A_289 = vector.shape_cast %get3A_288 : vector<1x16xi32> to vector<16xi32>
        %shift_left3A_290 = arith.shli %get3A_289, %broadcast_in_dim3A_13 : vector<16xi32>
        %bitcast_convert_type3A_291 = tpu.bitcast %shift_left3A_290 : vector<16xi32> -> vector<16xf32>
        %and3A_292 = arith.andi %get3A_289, %broadcast_in_dim3A_11 : vector<16xi32>
        %bitcast_convert_type3A_293 = tpu.bitcast %and3A_292 : vector<16xi32> -> vector<16xf32>
        %get3A_294 = arith.index_cast %add3A_189 : i32 to index
        %get3A_295 = arith.constant 96 : index
        %get3A_296 = tpu.vector_load %arg11[%get3A_294, %get3A_295] {strides = array<i32>} : memref<80x128xf32, #tpu.memory_space<vmem>>, vector<1x16xf32>,
        %get3A_297 = vector.shape_cast %get3A_296 : vector<1x16xf32> to vector<16xf32>
        %add3A_298 = arith.addf %get3A_297, %bitcast_convert_type3A_291 : vector<16xf32>
        %max3A_299 = arith.constant 0.000000e+00 : f32
        %max3A_300 = vector.broadcast %max3A_299 : f32 to vector<16xf32>
        %max3A_301 = arith.maximumf %add3A_298, %max3A_300 : vector<16xf32>
        %swap3A_302 = arith.index_cast %add3A_189 : i32 to index
        %swap3A_303 = arith.constant 96 : index
        %swap3A_304 = tpu.vector_load %arg11[%swap3A_302, %swap3A_303] {strides = array<i32>} : memref<80x128xf32, #tpu.memory_space<vmem>>, vector<1x16xf32>,
        %swap3A_305 = vector.shape_cast %swap3A_304 : vector<1x16xf32> to vector<16xf32>
        %swap3A_306 = vector.shape_cast %max3A_301 : vector<16xf32> to vector<1x16xf32>
        tpu.vector_store %arg11[%swap3A_302, %swap3A_303], %swap3A_306 {strides = array<i32>} : memref<80x128xf32, #tpu.memory_space<vmem>>, vector<1x16xf32>,
        %get3A_307 = arith.index_cast %add3A_189 : i32 to index
        %get3A_308 = arith.constant 112 : index
        %get3A_309 = tpu.vector_load %arg11[%get3A_307, %get3A_308] {strides = array<i32>} : memref<80x128xf32, #tpu.memory_space<vmem>>, vector<1x16xf32>,
        %get3A_310 = vector.shape_cast %get3A_309 : vector<1x16xf32> to vector<16xf32>
        %add3A_311 = arith.addf %get3A_310, %bitcast_convert_type3A_293 : vector<16xf32>
        %max3A_312 = arith.constant 0.000000e+00 : f32
        %max3A_313 = vector.broadcast %max3A_312 : f32 to vector<16xf32>
        %max3A_314 = arith.maximumf %add3A_311, %max3A_313 : vector<16xf32>
        %swap3A_315 = arith.index_cast %add3A_189 : i32 to index
        %swap3A_316 = arith.constant 112 : index
        %swap3A_317 = tpu.vector_load %arg11[%swap3A_315, %swap3A_316] {strides = array<i32>} : memref<80x128xf32, #tpu.memory_space<vmem>>, vector<1x16xf32>,
        %swap3A_318 = vector.shape_cast %swap3A_317 : vector<1x16xf32> to vector<16xf32>
        %swap3A_319 = vector.shape_cast %max3A_314 : vector<16xf32> to vector<1x16xf32>
        tpu.vector_store %arg11[%swap3A_315, %swap3A_316], %swap3A_319 {strides = array<i32>} : memref<80x128xf32, #tpu.memory_space<vmem>>, vector<1x16xf32>,
        %add3A_320 = arith.constant 40 : i32
        %add3A_321 = arith.addi %add3A_320, %scan3A_187 : i32
        %get3A_322 = arith.index_cast %scan3A_187 : i32 to index
        %get3A_323 = arith.constant 64 : index
        %get3A_324 = tpu.vector_load %arg13[%get3A_322, %get3A_323] {strides = array<i32>} : memref<40x128xi32, #tpu.memory_space<vmem>>, vector<1x16xi32>,
        %get3A_325 = vector.shape_cast %get3A_324 : vector<1x16xi32> to vector<16xi32>
        %shift_left3A_326 = arith.shli %get3A_325, %broadcast_in_dim3A_13 : vector<16xi32>
        %bitcast_convert_type3A_327 = tpu.bitcast %shift_left3A_326 : vector<16xi32> -> vector<16xf32>
        %and3A_328 = arith.andi %get3A_325, %broadcast_in_dim3A_11 : vector<16xi32>
        %bitcast_convert_type3A_329 = tpu.bitcast %and3A_328 : vector<16xi32> -> vector<16xf32>
        %get3A_330 = arith.index_cast %add3A_321 : i32 to index
        %get3A_331 = arith.constant 0 : index
        %get3A_332 = tpu.vector_load %arg11[%get3A_330, %get3A_331] {strides = array<i32>} : memref<80x128xf32, #tpu.memory_space<vmem>>, vector<1x16xf32>,
        %get3A_333 = vector.shape_cast %get3A_332 : vector<1x16xf32> to vector<16xf32>
        %add3A_334 = arith.addf %get3A_333, %bitcast_convert_type3A_327 : vector<16xf32>
        %max3A_335 = arith.constant 0.000000e+00 : f32
        %max3A_336 = vector.broadcast %max3A_335 : f32 to vector<16xf32>
        %max3A_337 = arith.maximumf %add3A_334, %max3A_336 : vector<16xf32>
        %swap3A_338 = arith.index_cast %add3A_321 : i32 to index
        %swap3A_339 = arith.constant 0 : index
        %swap3A_340 = tpu.vector_load %arg11[%swap3A_338, %swap3A_339] {strides = array<i32>} : memref<80x128xf32, #tpu.memory_space<vmem>>, vector<1x16xf32>,
        %swap3A_341 = vector.shape_cast %swap3A_340 : vector<1x16xf32> to vector<16xf32>
        %swap3A_342 = vector.shape_cast %max3A_337 : vector<16xf32> to vector<1x16xf32>
        tpu.vector_store %arg11[%swap3A_338, %swap3A_339], %swap3A_342 {strides = array<i32>} : memref<80x128xf32, #tpu.memory_space<vmem>>, vector<1x16xf32>,
        %get3A_343 = arith.index_cast %add3A_321 : i32 to index
        %get3A_344 = arith.constant 16 : index
        %get3A_345 = tpu.vector_load %arg11[%get3A_343, %get3A_344] {strides = array<i32>} : memref<80x128xf32, #tpu.memory_space<vmem>>, vector<1x16xf32>,
        %get3A_346 = vector.shape_cast %get3A_345 : vector<1x16xf32> to vector<16xf32>
        %add3A_347 = arith.addf %get3A_346, %bitcast_convert_type3A_329 : vector<16xf32>
        %max3A_348 = arith.constant 0.000000e+00 : f32
        %max3A_349 = vector.broadcast %max3A_348 : f32 to vector<16xf32>
        %max3A_350 = arith.maximumf %add3A_347, %max3A_349 : vector<16xf32>
        %swap3A_351 = arith.index_cast %add3A_321 : i32 to index
        %swap3A_352 = arith.constant 16 : index
        %swap3A_353 = tpu.vector_load %arg11[%swap3A_351, %swap3A_352] {strides = array<i32>} : memref<80x128xf32, #tpu.memory_space<vmem>>, vector<1x16xf32>,
        %swap3A_354 = vector.shape_cast %swap3A_353 : vector<1x16xf32> to vector<16xf32>
        %swap3A_355 = vector.shape_cast %max3A_350 : vector<16xf32> to vector<1x16xf32>
        tpu.vector_store %arg11[%swap3A_351, %swap3A_352], %swap3A_355 {strides = array<i32>} : memref<80x128xf32, #tpu.memory_space<vmem>>, vector<1x16xf32>,
        %get3A_356 = arith.index_cast %scan3A_187 : i32 to index
        %get3A_357 = arith.constant 80 : index
        %get3A_358 = tpu.vector_load %arg13[%get3A_356, %get3A_357] {strides = array<i32>} : memref<40x128xi32, #tpu.memory_space<vmem>>, vector<1x16xi32>,
        %get3A_359 = vector.shape_cast %get3A_358 : vector<1x16xi32> to vector<16xi32>
        %shift_left3A_360 = arith.shli %get3A_359, %broadcast_in_dim3A_13 : vector<16xi32>
        %bitcast_convert_type3A_361 = tpu.bitcast %shift_left3A_360 : vector<16xi32> -> vector<16xf32>
        %and3A_362 = arith.andi %get3A_359, %broadcast_in_dim3A_11 : vector<16xi32>
        %bitcast_convert_type3A_363 = tpu.bitcast %and3A_362 : vector<16xi32> -> vector<16xf32>
        %get3A_364 = arith.index_cast %add3A_321 : i32 to index
        %get3A_365 = arith.constant 32 : index
        %get3A_366 = tpu.vector_load %arg11[%get3A_364, %get3A_365] {strides = array<i32>} : memref<80x128xf32, #tpu.memory_space<vmem>>, vector<1x16xf32>,
        %get3A_367 = vector.shape_cast %get3A_366 : vector<1x16xf32> to vector<16xf32>
        %add3A_368 = arith.addf %get3A_367, %bitcast_convert_type3A_361 : vector<16xf32>
        %max3A_369 = arith.constant 0.000000e+00 : f32
        %max3A_370 = vector.broadcast %max3A_369 : f32 to vector<16xf32>
        %max3A_371 = arith.maximumf %add3A_368, %max3A_370 : vector<16xf32>
        %swap3A_372 = arith.index_cast %add3A_321 : i32 to index
        %swap3A_373 = arith.constant 32 : index
        %swap3A_374 = tpu.vector_load %arg11[%swap3A_372, %swap3A_373] {strides = array<i32>} : memref<80x128xf32, #tpu.memory_space<vmem>>, vector<1x16xf32>,
        %swap3A_375 = vector.shape_cast %swap3A_374 : vector<1x16xf32> to vector<16xf32>
        %swap3A_376 = vector.shape_cast %max3A_371 : vector<16xf32> to vector<1x16xf32>
        tpu.vector_store %arg11[%swap3A_372, %swap3A_373], %swap3A_376 {strides = array<i32>} : memref<80x128xf32, #tpu.memory_space<vmem>>, vector<1x16xf32>,
        %get3A_377 = arith.index_cast %add3A_321 : i32 to index
        %get3A_378 = arith.constant 48 : index
        %get3A_379 = tpu.vector_load %arg11[%get3A_377, %get3A_378] {strides = array<i32>} : memref<80x128xf32, #tpu.memory_space<vmem>>, vector<1x16xf32>,
        %get3A_380 = vector.shape_cast %get3A_379 : vector<1x16xf32> to vector<16xf32>
        %add3A_381 = arith.addf %get3A_380, %bitcast_convert_type3A_363 : vector<16xf32>
        %max3A_382 = arith.constant 0.000000e+00 : f32
        %max3A_383 = vector.broadcast %max3A_382 : f32 to vector<16xf32>
        %max3A_384 = arith.maximumf %add3A_381, %max3A_383 : vector<16xf32>
        %swap3A_385 = arith.index_cast %add3A_321 : i32 to index
        %swap3A_386 = arith.constant 48 : index
        %swap3A_387 = tpu.vector_load %arg11[%swap3A_385, %swap3A_386] {strides = array<i32>} : memref<80x128xf32, #tpu.memory_space<vmem>>, vector<1x16xf32>,
        %swap3A_388 = vector.shape_cast %swap3A_387 : vector<1x16xf32> to vector<16xf32>
        %swap3A_389 = vector.shape_cast %max3A_384 : vector<16xf32> to vector<1x16xf32>
        tpu.vector_store %arg11[%swap3A_385, %swap3A_386], %swap3A_389 {strides = array<i32>} : memref<80x128xf32, #tpu.memory_space<vmem>>, vector<1x16xf32>,
        %get3A_390 = arith.index_cast %scan3A_187 : i32 to index
        %get3A_391 = arith.constant 96 : index
        %get3A_392 = tpu.vector_load %arg13[%get3A_390, %get3A_391] {strides = array<i32>} : memref<40x128xi32, #tpu.memory_space<vmem>>, vector<1x16xi32>,
        %get3A_393 = vector.shape_cast %get3A_392 : vector<1x16xi32> to vector<16xi32>
        %shift_left3A_394 = arith.shli %get3A_393, %broadcast_in_dim3A_13 : vector<16xi32>
        %bitcast_convert_type3A_395 = tpu.bitcast %shift_left3A_394 : vector<16xi32> -> vector<16xf32>
        %and3A_396 = arith.andi %get3A_393, %broadcast_in_dim3A_11 : vector<16xi32>
        %bitcast_convert_type3A_397 = tpu.bitcast %and3A_396 : vector<16xi32> -> vector<16xf32>
        %get3A_398 = arith.index_cast %add3A_321 : i32 to index
        %get3A_399 = arith.constant 64 : index
        %get3A_400 = tpu.vector_load %arg11[%get3A_398, %get3A_399] {strides = array<i32>} : memref<80x128xf32, #tpu.memory_space<vmem>>, vector<1x16xf32>,
        %get3A_401 = vector.shape_cast %get3A_400 : vector<1x16xf32> to vector<16xf32>
        %add3A_402 = arith.addf %get3A_401, %bitcast_convert_type3A_395 : vector<16xf32>
        %max3A_403 = arith.constant 0.000000e+00 : f32
        %max3A_404 = vector.broadcast %max3A_403 : f32 to vector<16xf32>
        %max3A_405 = arith.maximumf %add3A_402, %max3A_404 : vector<16xf32>
        %swap3A_406 = arith.index_cast %add3A_321 : i32 to index
        %swap3A_407 = arith.constant 64 : index
        %swap3A_408 = tpu.vector_load %arg11[%swap3A_406, %swap3A_407] {strides = array<i32>} : memref<80x128xf32, #tpu.memory_space<vmem>>, vector<1x16xf32>,
        %swap3A_409 = vector.shape_cast %swap3A_408 : vector<1x16xf32> to vector<16xf32>
        %swap3A_410 = vector.shape_cast %max3A_405 : vector<16xf32> to vector<1x16xf32>
        tpu.vector_store %arg11[%swap3A_406, %swap3A_407], %swap3A_410 {strides = array<i32>} : memref<80x128xf32, #tpu.memory_space<vmem>>, vector<1x16xf32>,
        %get3A_411 = arith.index_cast %add3A_321 : i32 to index
        %get3A_412 = arith.constant 80 : index
        %get3A_413 = tpu.vector_load %arg11[%get3A_411, %get3A_412] {strides = array<i32>} : memref<80x128xf32, #tpu.memory_space<vmem>>, vector<1x16xf32>,
        %get3A_414 = vector.shape_cast %get3A_413 : vector<1x16xf32> to vector<16xf32>
        %add3A_415 = arith.addf %get3A_414, %bitcast_convert_type3A_397 : vector<16xf32>
        %max3A_416 = arith.constant 0.000000e+00 : f32
        %max3A_417 = vector.broadcast %max3A_416 : f32 to vector<16xf32>
        %max3A_418 = arith.maximumf %add3A_415, %max3A_417 : vector<16xf32>
        %swap3A_419 = arith.index_cast %add3A_321 : i32 to index
        %swap3A_420 = arith.constant 80 : index
        %swap3A_421 = tpu.vector_load %arg11[%swap3A_419, %swap3A_420] {strides = array<i32>} : memref<80x128xf32, #tpu.memory_space<vmem>>, vector<1x16xf32>,
        %swap3A_422 = vector.shape_cast %swap3A_421 : vector<1x16xf32> to vector<16xf32>
        %swap3A_423 = vector.shape_cast %max3A_418 : vector<16xf32> to vector<1x16xf32>
        tpu.vector_store %arg11[%swap3A_419, %swap3A_420], %swap3A_423 {strides = array<i32>} : memref<80x128xf32, #tpu.memory_space<vmem>>, vector<1x16xf32>,
        %get3A_424 = arith.index_cast %scan3A_187 : i32 to index
        %get3A_425 = arith.constant 112 : index
        %get3A_426 = tpu.vector_load %arg13[%get3A_424, %get3A_425] {strides = array<i32>} : memref<40x128xi32, #tpu.memory_space<vmem>>, vector<1x16xi32>,
        %get3A_427 = vector.shape_cast %get3A_426 : vector<1x16xi32> to vector<16xi32>
        %shift_left3A_428 = arith.shli %get3A_427, %broadcast_in_dim3A_13 : vector<16xi32>
        %bitcast_convert_type3A_429 = tpu.bitcast %shift_left3A_428 : vector<16xi32> -> vector<16xf32>
        %and3A_430 = arith.andi %get3A_427, %broadcast_in_dim3A_11 : vector<16xi32>
        %bitcast_convert_type3A_431 = tpu.bitcast %and3A_430 : vector<16xi32> -> vector<16xf32>
        %get3A_432 = arith.index_cast %add3A_321 : i32 to index
        %get3A_433 = arith.constant 96 : index
        %get3A_434 = tpu.vector_load %arg11[%get3A_432, %get3A_433] {strides = array<i32>} : memref<80x128xf32, #tpu.memory_space<vmem>>, vector<1x16xf32>,
        %get3A_435 = vector.shape_cast %get3A_434 : vector<1x16xf32> to vector<16xf32>
        %add3A_436 = arith.addf %get3A_435, %bitcast_convert_type3A_429 : vector<16xf32>
        %max3A_437 = arith.constant 0.000000e+00 : f32
        %max3A_438 = vector.broadcast %max3A_437 : f32 to vector<16xf32>
        %max3A_439 = arith.maximumf %add3A_436, %max3A_438 : vector<16xf32>
        %swap3A_440 = arith.index_cast %add3A_321 : i32 to index
        %swap3A_441 = arith.constant 96 : index
        %swap3A_442 = tpu.vector_load %arg11[%swap3A_440, %swap3A_441] {strides = array<i32>} : memref<80x128xf32, #tpu.memory_space<vmem>>, vector<1x16xf32>,
        %swap3A_443 = vector.shape_cast %swap3A_442 : vector<1x16xf32> to vector<16xf32>
        %swap3A_444 = vector.shape_cast %max3A_439 : vector<16xf32> to vector<1x16xf32>
        tpu.vector_store %arg11[%swap3A_440, %swap3A_441], %swap3A_444 {strides = array<i32>} : memref<80x128xf32, #tpu.memory_space<vmem>>, vector<1x16xf32>,
        %get3A_445 = arith.index_cast %add3A_321 : i32 to index
        %get3A_446 = arith.constant 112 : index
        %get3A_447 = tpu.vector_load %arg11[%get3A_445, %get3A_446] {strides = array<i32>} : memref<80x128xf32, #tpu.memory_space<vmem>>, vector<1x16xf32>,
        %get3A_448 = vector.shape_cast %get3A_447 : vector<1x16xf32> to vector<16xf32>
        %add3A_449 = arith.addf %get3A_448, %bitcast_convert_type3A_431 : vector<16xf32>
        %max3A_450 = arith.constant 0.000000e+00 : f32
        %max3A_451 = vector.broadcast %max3A_450 : f32 to vector<16xf32>
        %max3A_452 = arith.maximumf %add3A_449, %max3A_451 : vector<16xf32>
        %swap3A_453 = arith.index_cast %add3A_321 : i32 to index
        %swap3A_454 = arith.constant 112 : index
        %swap3A_455 = tpu.vector_load %arg11[%swap3A_453, %swap3A_454] {strides = array<i32>} : memref<80x128xf32, #tpu.memory_space<vmem>>, vector<1x16xf32>,
        %swap3A_456 = vector.shape_cast %swap3A_455 : vector<1x16xf32> to vector<16xf32>
        %swap3A_457 = vector.shape_cast %max3A_452 : vector<16xf32> to vector<1x16xf32>
        tpu.vector_store %arg11[%swap3A_453, %swap3A_454], %swap3A_457 {strides = array<i32>} : memref<80x128xf32, #tpu.memory_space<vmem>>, vector<1x16xf32>,
      }
      %scan3A_131 = arith.constant 40 : i32
      %dma_start3A_132 = arith.constant 0 : i32
      %dma_start3A_133 = arith.constant 0 : i32
      %dma_start3A_134 = tpu.memref_slice %arg15[%dma_start3A_132, %dma_start3A_133] : memref<10000x128xf32, #tpu.memory_space<vmem_shared>> -> memref<10000x128xf32, #tpu.memory_space<vmem_shared>>
      tpu.enqueue_indirect_dma source(%arg11 : memref<80x128xf32, #tpu.memory_space<vmem>>) target(%dma_start3A_134 : memref<10000x128xf32, #tpu.memory_space<vmem_shared>>) offsets(%arg9 : memref<80xi32, #tpu.memory_space<vmem>>) semaphore(%arg22 : memref<!tpu.dma_semaphore, #tpu.memory_space<semaphore_mem>>) {add = true}
      %dma_wait3A_135 = arith.constant 0 : i32
      %dma_wait3A_136 = arith.constant 0 : i32
      %dma_wait3A_137 = tpu.memref_slice %arg15[%dma_wait3A_135, %dma_wait3A_136] : memref<10000x128xf32, #tpu.memory_space<vmem_shared>> -> memref<10000x128xf32, #tpu.memory_space<vmem_shared>>
      tpu.wait_indirect_dma semaphore(%arg22 : memref<!tpu.dma_semaphore, #tpu.memory_space<semaphore_mem>>) src(%arg11 : memref<80x128xf32, #tpu.memory_space<vmem>>) dst(%dma_wait3A_137 : memref<10000x128xf32, #tpu.memory_space<vmem_shared>>)
      %add3A_138 = arith.constant 2 : i32
      %add3A_139 = arith.addi %mul3A_83, %add3A_138 : i32
      %mul3A_140 = arith.constant 80 : i32
      %mul3A_141 = arith.muli %add3A_139, %mul3A_140 : i32
      %dma_start3A_142 = tpu.memref_slice %arg8[%mul3A_141] : memref<10000xi32, #tpu.memory_space<vmem>> -> memref<80xi32, #tpu.memory_space<vmem>>
      %dma_start3A_143 = arith.constant 0 : i32
      %dma_start3A_144 = arith.constant 0 : i32
      %dma_start3A_145 = tpu.memref_slice %arg5[%dma_start3A_143, %dma_start3A_144] : memref<10000x128xf32, #tpu.memory_space<hbm>> -> memref<10000x128xf32, #tpu.memory_space<hbm>>
      tpu.enqueue_indirect_dma source(%dma_start3A_145 : memref<10000x128xf32, #tpu.memory_space<hbm>>) target(%arg11 : memref<80x128xf32, #tpu.memory_space<vmem>>) offsets(%dma_start3A_142 : memref<80xi32, #tpu.memory_space<vmem>>) semaphore(%arg16 : memref<!tpu.dma_semaphore, #tpu.memory_space<semaphore_mem>>)
      %add3A_146 = arith.addi %mul3A_8, %add3A_139 : i32
      %mul3A_147 = arith.constant 40 : i32
      %mul3A_148 = arith.muli %add3A_146, %mul3A_147 : i32
      %dma_start3A_149 = arith.constant 0 : i32
      %dma_start3A_150 = tpu.memref_slice %arg4[%mul3A_148, %dma_start3A_149] : memref<160000x128xi32, #tpu.memory_space<hbm>> -> memref<40x128xi32, #tpu.memory_space<hbm>>
      %dma_start3A_151 = arith.constant 0 : i32
      %dma_start3A_152 = tpu.memref_slice %arg4[%mul3A_148, %dma_start3A_151] : memref<160000x128xi32, #tpu.memory_space<hbm>> -> memref<40x128xi32, #tpu.memory_space<hbm>>
      tpu.enqueue_dma source(%dma_start3A_152 : memref<40x128xi32, #tpu.memory_space<hbm>>) target(%arg13 : memref<40x128xi32, #tpu.memory_space<vmem>>) target_semaphore(%arg18 : memref<!tpu.dma_semaphore, #tpu.memory_space<semaphore_mem>>)
      %add3A_153 = arith.addi %mul3A_8, %add3A_139 : i32
      %mul3A_154 = arith.constant 80 : i32
      %mul3A_155 = arith.muli %add3A_153, %mul3A_154 : i32
      %dma_start3A_156 = tpu.memref_slice %arg3[%mul3A_155] : memref<320000xi32, #tpu.memory_space<hbm>> -> memref<80xi32, #tpu.memory_space<hbm>>
      %dma_start3A_157 = tpu.memref_slice %arg3[%mul3A_155] : memref<320000xi32, #tpu.memory_space<hbm>> -> memref<80xi32, #tpu.memory_space<hbm>>
      tpu.enqueue_dma source(%dma_start3A_157 : memref<80xi32, #tpu.memory_space<hbm>>) target(%arg9 : memref<80xi32, #tpu.memory_space<vmem>>) target_semaphore(%arg20 : memref<!tpu.dma_semaphore, #tpu.memory_space<semaphore_mem>>)
      %add3A_158 = arith.constant 1 : i32
      %add3A_159 = arith.addi %mul3A_83, %add3A_158 : i32
      %mul3A_160 = arith.constant 80 : i32
      %mul3A_161 = arith.muli %add3A_159, %mul3A_160 : i32
      %dma_wait3A_162 = tpu.memref_slice %arg8[%mul3A_161] : memref<10000xi32, #tpu.memory_space<vmem>> -> memref<80xi32, #tpu.memory_space<vmem>>
      %dma_wait3A_163 = arith.constant 0 : i32
      %dma_wait3A_164 = arith.constant 0 : i32
      %dma_wait3A_165 = tpu.memref_slice %arg5[%dma_wait3A_163, %dma_wait3A_164] : memref<10000x128xf32, #tpu.memory_space<hbm>> -> memref<10000x128xf32, #tpu.memory_space<hbm>>
      tpu.wait_indirect_dma semaphore(%arg17 : memref<!tpu.dma_semaphore, #tpu.memory_space<semaphore_mem>>) src(%dma_wait3A_165 : memref<10000x128xf32, #tpu.memory_space<hbm>>) dst(%arg12 : memref<80x128xf32, #tpu.memory_space<vmem>>)
      %add3A_166 = arith.addi %mul3A_8, %add3A_159 : i32
      %mul3A_167 = arith.constant 40 : i32
      %mul3A_168 = arith.muli %add3A_166, %mul3A_167 : i32
      %dma_wait3A_169 = arith.constant 0 : i32
      %dma_wait3A_170 = tpu.memref_slice %arg4[%mul3A_168, %dma_wait3A_169] : memref<160000x128xi32, #tpu.memory_space<hbm>> -> memref<40x128xi32, #tpu.memory_space<hbm>>
      %dma_wait3A_171 = arith.constant 0 : i32
      %dma_wait3A_172 = tpu.memref_slice %arg4[%mul3A_168, %dma_wait3A_171] : memref<160000x128xi32, #tpu.memory_space<hbm>> -> memref<40x128xi32, #tpu.memory_space<hbm>>
      tpu.wait_dma2 semaphore(%arg19 : memref<!tpu.dma_semaphore, #tpu.memory_space<semaphore_mem>>) src(%dma_wait3A_172 : memref<40x128xi32, #tpu.memory_space<hbm>>) dst(%arg14 : memref<40x128xi32, #tpu.memory_space<vmem>>)
      %add3A_173 = arith.addi %mul3A_8, %add3A_159 : i32
      %mul3A_174 = arith.constant 80 : i32
      %mul3A_175 = arith.muli %add3A_173, %mul3A_174 : i32
      %dma_wait3A_176 = tpu.memref_slice %arg3[%mul3A_175] : memref<320000xi32, #tpu.memory_space<hbm>> -> memref<80xi32, #tpu.memory_space<hbm>>
      %dma_wait3A_177 = tpu.memref_slice %arg3[%mul3A_175] : memref<320000xi32, #tpu.memory_space<hbm>> -> memref<80xi32, #tpu.memory_space<hbm>>
      tpu.wait_dma2 semaphore(%arg21 : memref<!tpu.dma_semaphore, #tpu.memory_space<semaphore_mem>>) src(%dma_wait3A_177 : memref<80xi32, #tpu.memory_space<hbm>>) dst(%arg10 : memref<80xi32, #tpu.memory_space<vmem>>)
      %scan3A_178 = arith.constant 0 : i32
      %scan3A_179 = arith.constant 0 : i32
      %scan3A_180 = arith.constant 40 : i32
      %scan3A_181 = arith.addi %scan3A_179, %scan3A_180 : i32
      %scan3A_182 = arith.constant 1 : i32
      scf.for %scan3A_187 = %scan3A_179 to %scan3A_181 step %scan3A_182  : i32 {
        %add3A_188 = arith.constant 0 : i32
        %add3A_189 = arith.addi %add3A_188, %scan3A_187 : i32
        %get3A = arith.index_cast %scan3A_187 : i32 to index
        %get3A_190 = arith.constant 0 : index
        %get3A_191 = tpu.vector_load %arg14[%get3A, %get3A_190] {strides = array<i32>} : memref<40x128xi32, #tpu.memory_space<vmem>>, vector<1x16xi32>,
        %get3A_192 = vector.shape_cast %get3A_191 : vector<1x16xi32> to vector<16xi32>
        %shift_left3A = arith.shli %get3A_192, %broadcast_in_dim3A_13 : vector<16xi32>
        %bitcast_convert_type3A = tpu.bitcast %shift_left3A : vector<16xi32> -> vector<16xf32>
        %and3A = arith.andi %get3A_192, %broadcast_in_dim3A_11 : vector<16xi32>
        %bitcast_convert_type3A_193 = tpu.bitcast %and3A : vector<16xi32> -> vector<16xf32>
        %get3A_194 = arith.index_cast %add3A_189 : i32 to index
        %get3A_195 = arith.constant 0 : index
        %get3A_196 = tpu.vector_load %arg12[%get3A_194, %get3A_195] {strides = array<i32>} : memref<80x128xf32, #tpu.memory_space<vmem>>, vector<1x16xf32>,
        %get3A_197 = vector.shape_cast %get3A_196 : vector<1x16xf32> to vector<16xf32>
        %add3A_198 = arith.addf %get3A_197, %bitcast_convert_type3A : vector<16xf32>
        %max3A = arith.constant 0.000000e+00 : f32
        %max3A_199 = vector.broadcast %max3A : f32 to vector<16xf32>
        %max3A_200 = arith.maximumf %add3A_198, %max3A_199 : vector<16xf32>
        %swap3A = arith.index_cast %add3A_189 : i32 to index
        %swap3A_201 = arith.constant 0 : index
        %swap3A_202 = tpu.vector_load %arg12[%swap3A, %swap3A_201] {strides = array<i32>} : memref<80x128xf32, #tpu.memory_space<vmem>>, vector<1x16xf32>,
        %swap3A_203 = vector.shape_cast %swap3A_202 : vector<1x16xf32> to vector<16xf32>
        %swap3A_204 = vector.shape_cast %max3A_200 : vector<16xf32> to vector<1x16xf32>
        tpu.vector_store %arg12[%swap3A, %swap3A_201], %swap3A_204 {strides = array<i32>} : memref<80x128xf32, #tpu.memory_space<vmem>>, vector<1x16xf32>,
        %get3A_205 = arith.index_cast %add3A_189 : i32 to index
        %get3A_206 = arith.constant 16 : index
        %get3A_207 = tpu.vector_load %arg12[%get3A_205, %get3A_206] {strides = array<i32>} : memref<80x128xf32, #tpu.memory_space<vmem>>, vector<1x16xf32>,
        %get3A_208 = vector.shape_cast %get3A_207 : vector<1x16xf32> to vector<16xf32>
        %add3A_209 = arith.addf %get3A_208, %bitcast_convert_type3A_193 : vector<16xf32>
        %max3A_210 = arith.constant 0.000000e+00 : f32
        %max3A_211 = vector.broadcast %max3A_210 : f32 to vector<16xf32>
        %max3A_212 = arith.maximumf %add3A_209, %max3A_211 : vector<16xf32>
        %swap3A_213 = arith.index_cast %add3A_189 : i32 to index
        %swap3A_214 = arith.constant 16 : index
        %swap3A_215 = tpu.vector_load %arg12[%swap3A_213, %swap3A_214] {strides = array<i32>} : memref<80x128xf32, #tpu.memory_space<vmem>>, vector<1x16xf32>,
        %swap3A_216 = vector.shape_cast %swap3A_215 : vector<1x16xf32> to vector<16xf32>
        %swap3A_217 = vector.shape_cast %max3A_212 : vector<16xf32> to vector<1x16xf32>
        tpu.vector_store %arg12[%swap3A_213, %swap3A_214], %swap3A_217 {strides = array<i32>} : memref<80x128xf32, #tpu.memory_space<vmem>>, vector<1x16xf32>,
        %get3A_218 = arith.index_cast %scan3A_187 : i32 to index
        %get3A_219 = arith.constant 16 : index
        %get3A_220 = tpu.vector_load %arg14[%get3A_218, %get3A_219] {strides = array<i32>} : memref<40x128xi32, #tpu.memory_space<vmem>>, vector<1x16xi32>,
        %get3A_221 = vector.shape_cast %get3A_220 : vector<1x16xi32> to vector<16xi32>
        %shift_left3A_222 = arith.shli %get3A_221, %broadcast_in_dim3A_13 : vector<16xi32>
        %bitcast_convert_type3A_223 = tpu.bitcast %shift_left3A_222 : vector<16xi32> -> vector<16xf32>
        %and3A_224 = arith.andi %get3A_221, %broadcast_in_dim3A_11 : vector<16xi32>
        %bitcast_convert_type3A_225 = tpu.bitcast %and3A_224 : vector<16xi32> -> vector<16xf32>
        %get3A_226 = arith.index_cast %add3A_189 : i32 to index
        %get3A_227 = arith.constant 32 : index
        %get3A_228 = tpu.vector_load %arg12[%get3A_226, %get3A_227] {strides = array<i32>} : memref<80x128xf32, #tpu.memory_space<vmem>>, vector<1x16xf32>,
        %get3A_229 = vector.shape_cast %get3A_228 : vector<1x16xf32> to vector<16xf32>
        %add3A_230 = arith.addf %get3A_229, %bitcast_convert_type3A_223 : vector<16xf32>
        %max3A_231 = arith.constant 0.000000e+00 : f32
        %max3A_232 = vector.broadcast %max3A_231 : f32 to vector<16xf32>
        %max3A_233 = arith.maximumf %add3A_230, %max3A_232 : vector<16xf32>
        %swap3A_234 = arith.index_cast %add3A_189 : i32 to index
        %swap3A_235 = arith.constant 32 : index
        %swap3A_236 = tpu.vector_load %arg12[%swap3A_234, %swap3A_235] {strides = array<i32>} : memref<80x128xf32, #tpu.memory_space<vmem>>, vector<1x16xf32>,
        %swap3A_237 = vector.shape_cast %swap3A_236 : vector<1x16xf32> to vector<16xf32>
        %swap3A_238 = vector.shape_cast %max3A_233 : vector<16xf32> to vector<1x16xf32>
        tpu.vector_store %arg12[%swap3A_234, %swap3A_235], %swap3A_238 {strides = array<i32>} : memref<80x128xf32, #tpu.memory_space<vmem>>, vector<1x16xf32>,
        %get3A_239 = arith.index_cast %add3A_189 : i32 to index
        %get3A_240 = arith.constant 48 : index
        %get3A_241 = tpu.vector_load %arg12[%get3A_239, %get3A_240] {strides = array<i32>} : memref<80x128xf32, #tpu.memory_space<vmem>>, vector<1x16xf32>,
        %get3A_242 = vector.shape_cast %get3A_241 : vector<1x16xf32> to vector<16xf32>
        %add3A_243 = arith.addf %get3A_242, %bitcast_convert_type3A_225 : vector<16xf32>
        %max3A_244 = arith.constant 0.000000e+00 : f32
        %max3A_245 = vector.broadcast %max3A_244 : f32 to vector<16xf32>
        %max3A_246 = arith.maximumf %add3A_243, %max3A_245 : vector<16xf32>
        %swap3A_247 = arith.index_cast %add3A_189 : i32 to index
        %swap3A_248 = arith.constant 48 : index
        %swap3A_249 = tpu.vector_load %arg12[%swap3A_247, %swap3A_248] {strides = array<i32>} : memref<80x128xf32, #tpu.memory_space<vmem>>, vector<1x16xf32>,
        %swap3A_250 = vector.shape_cast %swap3A_249 : vector<1x16xf32> to vector<16xf32>
        %swap3A_251 = vector.shape_cast %max3A_246 : vector<16xf32> to vector<1x16xf32>
        tpu.vector_store %arg12[%swap3A_247, %swap3A_248], %swap3A_251 {strides = array<i32>} : memref<80x128xf32, #tpu.memory_space<vmem>>, vector<1x16xf32>,
        %get3A_252 = arith.index_cast %scan3A_187 : i32 to index
        %get3A_253 = arith.constant 32 : index
        %get3A_254 = tpu.vector_load %arg14[%get3A_252, %get3A_253] {strides = array<i32>} : memref<40x128xi32, #tpu.memory_space<vmem>>, vector<1x16xi32>,
        %get3A_255 = vector.shape_cast %get3A_254 : vector<1x16xi32> to vector<16xi32>
        %shift_left3A_256 = arith.shli %get3A_255, %broadcast_in_dim3A_13 : vector<16xi32>
        %bitcast_convert_type3A_257 = tpu.bitcast %shift_left3A_256 : vector<16xi32> -> vector<16xf32>
        %and3A_258 = arith.andi %get3A_255, %broadcast_in_dim3A_11 : vector<16xi32>
        %bitcast_convert_type3A_259 = tpu.bitcast %and3A_258 : vector<16xi32> -> vector<16xf32>
        %get3A_260 = arith.index_cast %add3A_189 : i32 to index
        %get3A_261 = arith.constant 64 : index
        %get3A_262 = tpu.vector_load %arg12[%get3A_260, %get3A_261] {strides = array<i32>} : memref<80x128xf32, #tpu.memory_space<vmem>>, vector<1x16xf32>,
        %get3A_263 = vector.shape_cast %get3A_262 : vector<1x16xf32> to vector<16xf32>
        %add3A_264 = arith.addf %get3A_263, %bitcast_convert_type3A_257 : vector<16xf32>
        %max3A_265 = arith.constant 0.000000e+00 : f32
        %max3A_266 = vector.broadcast %max3A_265 : f32 to vector<16xf32>
        %max3A_267 = arith.maximumf %add3A_264, %max3A_266 : vector<16xf32>
        %swap3A_268 = arith.index_cast %add3A_189 : i32 to index
        %swap3A_269 = arith.constant 64 : index
        %swap3A_270 = tpu.vector_load %arg12[%swap3A_268, %swap3A_269] {strides = array<i32>} : memref<80x128xf32, #tpu.memory_space<vmem>>, vector<1x16xf32>,
        %swap3A_271 = vector.shape_cast %swap3A_270 : vector<1x16xf32> to vector<16xf32>
        %swap3A_272 = vector.shape_cast %max3A_267 : vector<16xf32> to vector<1x16xf32>
        tpu.vector_store %arg12[%swap3A_268, %swap3A_269], %swap3A_272 {strides = array<i32>} : memref<80x128xf32, #tpu.memory_space<vmem>>, vector<1x16xf32>,
        %get3A_273 = arith.index_cast %add3A_189 : i32 to index
        %get3A_274 = arith.constant 80 : index
        %get3A_275 = tpu.vector_load %arg12[%get3A_273, %get3A_274] {strides = array<i32>} : memref<80x128xf32, #tpu.memory_space<vmem>>, vector<1x16xf32>,
        %get3A_276 = vector.shape_cast %get3A_275 : vector<1x16xf32> to vector<16xf32>
        %add3A_277 = arith.addf %get3A_276, %bitcast_convert_type3A_259 : vector<16xf32>
        %max3A_278 = arith.constant 0.000000e+00 : f32
        %max3A_279 = vector.broadcast %max3A_278 : f32 to vector<16xf32>
        %max3A_280 = arith.maximumf %add3A_277, %max3A_279 : vector<16xf32>
        %swap3A_281 = arith.index_cast %add3A_189 : i32 to index
        %swap3A_282 = arith.constant 80 : index
        %swap3A_283 = tpu.vector_load %arg12[%swap3A_281, %swap3A_282] {strides = array<i32>} : memref<80x128xf32, #tpu.memory_space<vmem>>, vector<1x16xf32>,
        %swap3A_284 = vector.shape_cast %swap3A_283 : vector<1x16xf32> to vector<16xf32>
        %swap3A_285 = vector.shape_cast %max3A_280 : vector<16xf32> to vector<1x16xf32>
        tpu.vector_store %arg12[%swap3A_281, %swap3A_282], %swap3A_285 {strides = array<i32>} : memref<80x128xf32, #tpu.memory_space<vmem>>, vector<1x16xf32>,
        %get3A_286 = arith.index_cast %scan3A_187 : i32 to index
        %get3A_287 = arith.constant 48 : index
        %get3A_288 = tpu.vector_load %arg14[%get3A_286, %get3A_287] {strides = array<i32>} : memref<40x128xi32, #tpu.memory_space<vmem>>, vector<1x16xi32>,
        %get3A_289 = vector.shape_cast %get3A_288 : vector<1x16xi32> to vector<16xi32>
        %shift_left3A_290 = arith.shli %get3A_289, %broadcast_in_dim3A_13 : vector<16xi32>
        %bitcast_convert_type3A_291 = tpu.bitcast %shift_left3A_290 : vector<16xi32> -> vector<16xf32>
        %and3A_292 = arith.andi %get3A_289, %broadcast_in_dim3A_11 : vector<16xi32>
        %bitcast_convert_type3A_293 = tpu.bitcast %and3A_292 : vector<16xi32> -> vector<16xf32>
        %get3A_294 = arith.index_cast %add3A_189 : i32 to index
        %get3A_295 = arith.constant 96 : index
        %get3A_296 = tpu.vector_load %arg12[%get3A_294, %get3A_295] {strides = array<i32>} : memref<80x128xf32, #tpu.memory_space<vmem>>, vector<1x16xf32>,
        %get3A_297 = vector.shape_cast %get3A_296 : vector<1x16xf32> to vector<16xf32>
        %add3A_298 = arith.addf %get3A_297, %bitcast_convert_type3A_291 : vector<16xf32>
        %max3A_299 = arith.constant 0.000000e+00 : f32
        %max3A_300 = vector.broadcast %max3A_299 : f32 to vector<16xf32>
        %max3A_301 = arith.maximumf %add3A_298, %max3A_300 : vector<16xf32>
        %swap3A_302 = arith.index_cast %add3A_189 : i32 to index
        %swap3A_303 = arith.constant 96 : index
        %swap3A_304 = tpu.vector_load %arg12[%swap3A_302, %swap3A_303] {strides = array<i32>} : memref<80x128xf32, #tpu.memory_space<vmem>>, vector<1x16xf32>,
        %swap3A_305 = vector.shape_cast %swap3A_304 : vector<1x16xf32> to vector<16xf32>
        %swap3A_306 = vector.shape_cast %max3A_301 : vector<16xf32> to vector<1x16xf32>
        tpu.vector_store %arg12[%swap3A_302, %swap3A_303], %swap3A_306 {strides = array<i32>} : memref<80x128xf32, #tpu.memory_space<vmem>>, vector<1x16xf32>,
        %get3A_307 = arith.index_cast %add3A_189 : i32 to index
        %get3A_308 = arith.constant 112 : index
        %get3A_309 = tpu.vector_load %arg12[%get3A_307, %get3A_308] {strides = array<i32>} : memref<80x128xf32, #tpu.memory_space<vmem>>, vector<1x16xf32>,
        %get3A_310 = vector.shape_cast %get3A_309 : vector<1x16xf32> to vector<16xf32>
        %add3A_311 = arith.addf %get3A_310, %bitcast_convert_type3A_293 : vector<16xf32>
        %max3A_312 = arith.constant 0.000000e+00 : f32
        %max3A_313 = vector.broadcast %max3A_312 : f32 to vector<16xf32>
        %max3A_314 = arith.maximumf %add3A_311, %max3A_313 : vector<16xf32>
        %swap3A_315 = arith.index_cast %add3A_189 : i32 to index
        %swap3A_316 = arith.constant 112 : index
        %swap3A_317 = tpu.vector_load %arg12[%swap3A_315, %swap3A_316] {strides = array<i32>} : memref<80x128xf32, #tpu.memory_space<vmem>>, vector<1x16xf32>,
        %swap3A_318 = vector.shape_cast %swap3A_317 : vector<1x16xf32> to vector<16xf32>
        %swap3A_319 = vector.shape_cast %max3A_314 : vector<16xf32> to vector<1x16xf32>
        tpu.vector_store %arg12[%swap3A_315, %swap3A_316], %swap3A_319 {strides = array<i32>} : memref<80x128xf32, #tpu.memory_space<vmem>>, vector<1x16xf32>,
        %add3A_320 = arith.constant 40 : i32
        %add3A_321 = arith.addi %add3A_320, %scan3A_187 : i32
        %get3A_322 = arith.index_cast %scan3A_187 : i32 to index
        %get3A_323 = arith.constant 64 : index
        %get3A_324 = tpu.vector_load %arg14[%get3A_322, %get3A_323] {strides = array<i32>} : memref<40x128xi32, #tpu.memory_space<vmem>>, vector<1x16xi32>,
        %get3A_325 = vector.shape_cast %get3A_324 : vector<1x16xi32> to vector<16xi32>
        %shift_left3A_326 = arith.shli %get3A_325, %broadcast_in_dim3A_13 : vector<16xi32>
        %bitcast_convert_type3A_327 = tpu.bitcast %shift_left3A_326 : vector<16xi32> -> vector<16xf32>
        %and3A_328 = arith.andi %get3A_325, %broadcast_in_dim3A_11 : vector<16xi32>
        %bitcast_convert_type3A_329 = tpu.bitcast %and3A_328 : vector<16xi32> -> vector<16xf32>
        %get3A_330 = arith.index_cast %add3A_321 : i32 to index
        %get3A_331 = arith.constant 0 : index
        %get3A_332 = tpu.vector_load %arg12[%get3A_330, %get3A_331] {strides = array<i32>} : memref<80x128xf32, #tpu.memory_space<vmem>>, vector<1x16xf32>,
        %get3A_333 = vector.shape_cast %get3A_332 : vector<1x16xf32> to vector<16xf32>
        %add3A_334 = arith.addf %get3A_333, %bitcast_convert_type3A_327 : vector<16xf32>
        %max3A_335 = arith.constant 0.000000e+00 : f32
        %max3A_336 = vector.broadcast %max3A_335 : f32 to vector<16xf32>
        %max3A_337 = arith.maximumf %add3A_334, %max3A_336 : vector<16xf32>
        %swap3A_338 = arith.index_cast %add3A_321 : i32 to index
        %swap3A_339 = arith.constant 0 : index
        %swap3A_340 = tpu.vector_load %arg12[%swap3A_338, %swap3A_339] {strides = array<i32>} : memref<80x128xf32, #tpu.memory_space<vmem>>, vector<1x16xf32>,
        %swap3A_341 = vector.shape_cast %swap3A_340 : vector<1x16xf32> to vector<16xf32>
        %swap3A_342 = vector.shape_cast %max3A_337 : vector<16xf32> to vector<1x16xf32>
        tpu.vector_store %arg12[%swap3A_338, %swap3A_339], %swap3A_342 {strides = array<i32>} : memref<80x128xf32, #tpu.memory_space<vmem>>, vector<1x16xf32>,
        %get3A_343 = arith.index_cast %add3A_321 : i32 to index
        %get3A_344 = arith.constant 16 : index
        %get3A_345 = tpu.vector_load %arg12[%get3A_343, %get3A_344] {strides = array<i32>} : memref<80x128xf32, #tpu.memory_space<vmem>>, vector<1x16xf32>,
        %get3A_346 = vector.shape_cast %get3A_345 : vector<1x16xf32> to vector<16xf32>
        %add3A_347 = arith.addf %get3A_346, %bitcast_convert_type3A_329 : vector<16xf32>
        %max3A_348 = arith.constant 0.000000e+00 : f32
        %max3A_349 = vector.broadcast %max3A_348 : f32 to vector<16xf32>
        %max3A_350 = arith.maximumf %add3A_347, %max3A_349 : vector<16xf32>
        %swap3A_351 = arith.index_cast %add3A_321 : i32 to index
        %swap3A_352 = arith.constant 16 : index
        %swap3A_353 = tpu.vector_load %arg12[%swap3A_351, %swap3A_352] {strides = array<i32>} : memref<80x128xf32, #tpu.memory_space<vmem>>, vector<1x16xf32>,
        %swap3A_354 = vector.shape_cast %swap3A_353 : vector<1x16xf32> to vector<16xf32>
        %swap3A_355 = vector.shape_cast %max3A_350 : vector<16xf32> to vector<1x16xf32>
        tpu.vector_store %arg12[%swap3A_351, %swap3A_352], %swap3A_355 {strides = array<i32>} : memref<80x128xf32, #tpu.memory_space<vmem>>, vector<1x16xf32>,
        %get3A_356 = arith.index_cast %scan3A_187 : i32 to index
        %get3A_357 = arith.constant 80 : index
        %get3A_358 = tpu.vector_load %arg14[%get3A_356, %get3A_357] {strides = array<i32>} : memref<40x128xi32, #tpu.memory_space<vmem>>, vector<1x16xi32>,
        %get3A_359 = vector.shape_cast %get3A_358 : vector<1x16xi32> to vector<16xi32>
        %shift_left3A_360 = arith.shli %get3A_359, %broadcast_in_dim3A_13 : vector<16xi32>
        %bitcast_convert_type3A_361 = tpu.bitcast %shift_left3A_360 : vector<16xi32> -> vector<16xf32>
        %and3A_362 = arith.andi %get3A_359, %broadcast_in_dim3A_11 : vector<16xi32>
        %bitcast_convert_type3A_363 = tpu.bitcast %and3A_362 : vector<16xi32> -> vector<16xf32>
        %get3A_364 = arith.index_cast %add3A_321 : i32 to index
        %get3A_365 = arith.constant 32 : index
        %get3A_366 = tpu.vector_load %arg12[%get3A_364, %get3A_365] {strides = array<i32>} : memref<80x128xf32, #tpu.memory_space<vmem>>, vector<1x16xf32>,
        %get3A_367 = vector.shape_cast %get3A_366 : vector<1x16xf32> to vector<16xf32>
        %add3A_368 = arith.addf %get3A_367, %bitcast_convert_type3A_361 : vector<16xf32>
        %max3A_369 = arith.constant 0.000000e+00 : f32
        %max3A_370 = vector.broadcast %max3A_369 : f32 to vector<16xf32>
        %max3A_371 = arith.maximumf %add3A_368, %max3A_370 : vector<16xf32>
        %swap3A_372 = arith.index_cast %add3A_321 : i32 to index
        %swap3A_373 = arith.constant 32 : index
        %swap3A_374 = tpu.vector_load %arg12[%swap3A_372, %swap3A_373] {strides = array<i32>} : memref<80x128xf32, #tpu.memory_space<vmem>>, vector<1x16xf32>,
        %swap3A_375 = vector.shape_cast %swap3A_374 : vector<1x16xf32> to vector<16xf32>
        %swap3A_376 = vector.shape_cast %max3A_371 : vector<16xf32> to vector<1x16xf32>
        tpu.vector_store %arg12[%swap3A_372, %swap3A_373], %swap3A_376 {strides = array<i32>} : memref<80x128xf32, #tpu.memory_space<vmem>>, vector<1x16xf32>,
        %get3A_377 = arith.index_cast %add3A_321 : i32 to index
        %get3A_378 = arith.constant 48 : index
        %get3A_379 = tpu.vector_load %arg12[%get3A_377, %get3A_378] {strides = array<i32>} : memref<80x128xf32, #tpu.memory_space<vmem>>, vector<1x16xf32>,
        %get3A_380 = vector.shape_cast %get3A_379 : vector<1x16xf32> to vector<16xf32>
        %add3A_381 = arith.addf %get3A_380, %bitcast_convert_type3A_363 : vector<16xf32>
        %max3A_382 = arith.constant 0.000000e+00 : f32
        %max3A_383 = vector.broadcast %max3A_382 : f32 to vector<16xf32>
        %max3A_384 = arith.maximumf %add3A_381, %max3A_383 : vector<16xf32>
        %swap3A_385 = arith.index_cast %add3A_321 : i32 to index
        %swap3A_386 = arith.constant 48 : index
        %swap3A_387 = tpu.vector_load %arg12[%swap3A_385, %swap3A_386] {strides = array<i32>} : memref<80x128xf32, #tpu.memory_space<vmem>>, vector<1x16xf32>,
        %swap3A_388 = vector.shape_cast %swap3A_387 : vector<1x16xf32> to vector<16xf32>
        %swap3A_389 = vector.shape_cast %max3A_384 : vector<16xf32> to vector<1x16xf32>
        tpu.vector_store %arg12[%swap3A_385, %swap3A_386], %swap3A_389 {strides = array<i32>} : memref<80x128xf32, #tpu.memory_space<vmem>>, vector<1x16xf32>,
        %get3A_390 = arith.index_cast %scan3A_187 : i32 to index
        %get3A_391 = arith.constant 96 : index
        %get3A_392 = tpu.vector_load %arg14[%get3A_390, %get3A_391] {strides = array<i32>} : memref<40x128xi32, #tpu.memory_space<vmem>>, vector<1x16xi32>,
        %get3A_393 = vector.shape_cast %get3A_392 : vector<1x16xi32> to vector<16xi32>
        %shift_left3A_394 = arith.shli %get3A_393, %broadcast_in_dim3A_13 : vector<16xi32>
        %bitcast_convert_type3A_395 = tpu.bitcast %shift_left3A_394 : vector<16xi32> -> vector<16xf32>
        %and3A_396 = arith.andi %get3A_393, %broadcast_in_dim3A_11 : vector<16xi32>
        %bitcast_convert_type3A_397 = tpu.bitcast %and3A_396 : vector<16xi32> -> vector<16xf32>
        %get3A_398 = arith.index_cast %add3A_321 : i32 to index
        %get3A_399 = arith.constant 64 : index
        %get3A_400 = tpu.vector_load %arg12[%get3A_398, %get3A_399] {strides = array<i32>} : memref<80x128xf32, #tpu.memory_space<vmem>>, vector<1x16xf32>,
        %get3A_401 = vector.shape_cast %get3A_400 : vector<1x16xf32> to vector<16xf32>
        %add3A_402 = arith.addf %get3A_401, %bitcast_convert_type3A_395 : vector<16xf32>
        %max3A_403 = arith.constant 0.000000e+00 : f32
        %max3A_404 = vector.broadcast %max3A_403 : f32 to vector<16xf32>
        %max3A_405 = arith.maximumf %add3A_402, %max3A_404 : vector<16xf32>
        %swap3A_406 = arith.index_cast %add3A_321 : i32 to index
        %swap3A_407 = arith.constant 64 : index
        %swap3A_408 = tpu.vector_load %arg12[%swap3A_406, %swap3A_407] {strides = array<i32>} : memref<80x128xf32, #tpu.memory_space<vmem>>, vector<1x16xf32>,
        %swap3A_409 = vector.shape_cast %swap3A_408 : vector<1x16xf32> to vector<16xf32>
        %swap3A_410 = vector.shape_cast %max3A_405 : vector<16xf32> to vector<1x16xf32>
        tpu.vector_store %arg12[%swap3A_406, %swap3A_407], %swap3A_410 {strides = array<i32>} : memref<80x128xf32, #tpu.memory_space<vmem>>, vector<1x16xf32>,
        %get3A_411 = arith.index_cast %add3A_321 : i32 to index
        %get3A_412 = arith.constant 80 : index
        %get3A_413 = tpu.vector_load %arg12[%get3A_411, %get3A_412] {strides = array<i32>} : memref<80x128xf32, #tpu.memory_space<vmem>>, vector<1x16xf32>,
        %get3A_414 = vector.shape_cast %get3A_413 : vector<1x16xf32> to vector<16xf32>
        %add3A_415 = arith.addf %get3A_414, %bitcast_convert_type3A_397 : vector<16xf32>
        %max3A_416 = arith.constant 0.000000e+00 : f32
        %max3A_417 = vector.broadcast %max3A_416 : f32 to vector<16xf32>
        %max3A_418 = arith.maximumf %add3A_415, %max3A_417 : vector<16xf32>
        %swap3A_419 = arith.index_cast %add3A_321 : i32 to index
        %swap3A_420 = arith.constant 80 : index
        %swap3A_421 = tpu.vector_load %arg12[%swap3A_419, %swap3A_420] {strides = array<i32>} : memref<80x128xf32, #tpu.memory_space<vmem>>, vector<1x16xf32>,
        %swap3A_422 = vector.shape_cast %swap3A_421 : vector<1x16xf32> to vector<16xf32>
        %swap3A_423 = vector.shape_cast %max3A_418 : vector<16xf32> to vector<1x16xf32>
        tpu.vector_store %arg12[%swap3A_419, %swap3A_420], %swap3A_423 {strides = array<i32>} : memref<80x128xf32, #tpu.memory_space<vmem>>, vector<1x16xf32>,
        %get3A_424 = arith.index_cast %scan3A_187 : i32 to index
        %get3A_425 = arith.constant 112 : index
        %get3A_426 = tpu.vector_load %arg14[%get3A_424, %get3A_425] {strides = array<i32>} : memref<40x128xi32, #tpu.memory_space<vmem>>, vector<1x16xi32>,
        %get3A_427 = vector.shape_cast %get3A_426 : vector<1x16xi32> to vector<16xi32>
        %shift_left3A_428 = arith.shli %get3A_427, %broadcast_in_dim3A_13 : vector<16xi32>
        %bitcast_convert_type3A_429 = tpu.bitcast %shift_left3A_428 : vector<16xi32> -> vector<16xf32>
        %and3A_430 = arith.andi %get3A_427, %broadcast_in_dim3A_11 : vector<16xi32>
        %bitcast_convert_type3A_431 = tpu.bitcast %and3A_430 : vector<16xi32> -> vector<16xf32>
        %get3A_432 = arith.index_cast %add3A_321 : i32 to index
        %get3A_433 = arith.constant 96 : index
        %get3A_434 = tpu.vector_load %arg12[%get3A_432, %get3A_433] {strides = array<i32>} : memref<80x128xf32, #tpu.memory_space<vmem>>, vector<1x16xf32>,
        %get3A_435 = vector.shape_cast %get3A_434 : vector<1x16xf32> to vector<16xf32>
        %add3A_436 = arith.addf %get3A_435, %bitcast_convert_type3A_429 : vector<16xf32>
        %max3A_437 = arith.constant 0.000000e+00 : f32
        %max3A_438 = vector.broadcast %max3A_437 : f32 to vector<16xf32>
        %max3A_439 = arith.maximumf %add3A_436, %max3A_438 : vector<16xf32>
        %swap3A_440 = arith.index_cast %add3A_321 : i32 to index
        %swap3A_441 = arith.constant 96 : index
        %swap3A_442 = tpu.vector_load %arg12[%swap3A_440, %swap3A_441] {strides = array<i32>} : memref<80x128xf32, #tpu.memory_space<vmem>>, vector<1x16xf32>,
        %swap3A_443 = vector.shape_cast %swap3A_442 : vector<1x16xf32> to vector<16xf32>
        %swap3A_444 = vector.shape_cast %max3A_439 : vector<16xf32> to vector<1x16xf32>
        tpu.vector_store %arg12[%swap3A_440, %swap3A_441], %swap3A_444 {strides = array<i32>} : memref<80x128xf32, #tpu.memory_space<vmem>>, vector<1x16xf32>,
        %get3A_445 = arith.index_cast %add3A_321 : i32 to index
        %get3A_446 = arith.constant 112 : index
        %get3A_447 = tpu.vector_load %arg12[%get3A_445, %get3A_446] {strides = array<i32>} : memref<80x128xf32, #tpu.memory_space<vmem>>, vector<1x16xf32>,
        %get3A_448 = vector.shape_cast %get3A_447 : vector<1x16xf32> to vector<16xf32>
        %add3A_449 = arith.addf %get3A_448, %bitcast_convert_type3A_431 : vector<16xf32>
        %max3A_450 = arith.constant 0.000000e+00 : f32
        %max3A_451 = vector.broadcast %max3A_450 : f32 to vector<16xf32>
        %max3A_452 = arith.maximumf %add3A_449, %max3A_451 : vector<16xf32>
        %swap3A_453 = arith.index_cast %add3A_321 : i32 to index
        %swap3A_454 = arith.constant 112 : index
        %swap3A_455 = tpu.vector_load %arg12[%swap3A_453, %swap3A_454] {strides = array<i32>} : memref<80x128xf32, #tpu.memory_space<vmem>>, vector<1x16xf32>,
        %swap3A_456 = vector.shape_cast %swap3A_455 : vector<1x16xf32> to vector<16xf32>
        %swap3A_457 = vector.shape_cast %max3A_452 : vector<16xf32> to vector<1x16xf32>
        tpu.vector_store %arg12[%swap3A_453, %swap3A_454], %swap3A_457 {strides = array<i32>} : memref<80x128xf32, #tpu.memory_space<vmem>>, vector<1x16xf32>,
      }
      %scan3A_183 = arith.constant 40 : i32
      %dma_start3A_184 = arith.constant 0 : i32
      %dma_start3A_185 = arith.constant 0 : i32
      %dma_start3A_186 = tpu.memref_slice %arg15[%dma_start3A_184, %dma_start3A_185] : memref<10000x128xf32, #tpu.memory_space<vmem_shared>> -> memref<10000x128xf32, #tpu.memory_space<vmem_shared>>
      tpu.enqueue_indirect_dma source(%arg12 : memref<80x128xf32, #tpu.memory_space<vmem>>) target(%dma_start3A_186 : memref<10000x128xf32, #tpu.memory_space<vmem_shared>>) offsets(%arg10 : memref<80xi32, #tpu.memory_space<vmem>>) semaphore(%arg23 : memref<!tpu.dma_semaphore, #tpu.memory_space<semaphore_mem>>) {add = true}
    }
    %scan3A_36 = arith.constant 62 : i32
    %dma_wait3A = arith.constant 0 : i32
    %dma_wait3A_37 = arith.constant 0 : i32
    %dma_wait3A_38 = tpu.memref_slice %arg15[%dma_wait3A, %dma_wait3A_37] : memref<10000x128xf32, #tpu.memory_space<vmem_shared>> -> memref<10000x128xf32, #tpu.memory_space<vmem_shared>>
    tpu.wait_indirect_dma semaphore(%arg23 : memref<!tpu.dma_semaphore, #tpu.memory_space<semaphore_mem>>) src(%arg12 : memref<80x128xf32, #tpu.memory_space<vmem>>) dst(%dma_wait3A_38 : memref<10000x128xf32, #tpu.memory_space<vmem_shared>>)
    %dma_wait3A_39 = arith.constant 9920 : i32
    %dma_wait3A_40 = tpu.memref_slice %arg8[%dma_wait3A_39] : memref<10000xi32, #tpu.memory_space<vmem>> -> memref<80xi32, #tpu.memory_space<vmem>>
    %dma_wait3A_41 = arith.constant 0 : i32
    %dma_wait3A_42 = arith.constant 0 : i32
    %dma_wait3A_43 = tpu.memref_slice %arg5[%dma_wait3A_41, %dma_wait3A_42] : memref<10000x128xf32, #tpu.memory_space<hbm>> -> memref<10000x128xf32, #tpu.memory_space<hbm>>
    tpu.wait_indirect_dma semaphore(%arg16 : memref<!tpu.dma_semaphore, #tpu.memory_space<semaphore_mem>>) src(%dma_wait3A_43 : memref<10000x128xf32, #tpu.memory_space<hbm>>) dst(%arg11 : memref<80x128xf32, #tpu.memory_space<vmem>>)
    %add3A_44 = arith.constant 124 : i32
    %add3A_45 = arith.addi %mul3A_8, %add3A_44 : i32
    %mul3A_46 = arith.constant 40 : i32
    %mul3A_47 = arith.muli %add3A_45, %mul3A_46 : i32
    %dma_wait3A_48 = arith.constant 0 : i32
    %dma_wait3A_49 = tpu.memref_slice %arg4[%mul3A_47, %dma_wait3A_48] : memref<160000x128xi32, #tpu.memory_space<hbm>> -> memref<40x128xi32, #tpu.memory_space<hbm>>
    %dma_wait3A_50 = arith.constant 0 : i32
    %dma_wait3A_51 = tpu.memref_slice %arg4[%mul3A_47, %dma_wait3A_50] : memref<160000x128xi32, #tpu.memory_space<hbm>> -> memref<40x128xi32, #tpu.memory_space<hbm>>
    tpu.wait_dma2 semaphore(%arg18 : memref<!tpu.dma_semaphore, #tpu.memory_space<semaphore_mem>>) src(%dma_wait3A_51 : memref<40x128xi32, #tpu.memory_space<hbm>>) dst(%arg13 : memref<40x128xi32, #tpu.memory_space<vmem>>)
    %add3A_52 = arith.constant 124 : i32
    %add3A_53 = arith.addi %mul3A_8, %add3A_52 : i32
    %mul3A_54 = arith.constant 80 : i32
    %mul3A_55 = arith.muli %add3A_53, %mul3A_54 : i32
    %dma_wait3A_56 = tpu.memref_slice %arg3[%mul3A_55] : memref<320000xi32, #tpu.memory_space<hbm>> -> memref<80xi32, #tpu.memory_space<hbm>>
    %dma_wait3A_57 = tpu.memref_slice %arg3[%mul3A_55] : memref<320000xi32, #tpu.memory_space<hbm>> -> memref<80xi32, #tpu.memory_space<hbm>>
    tpu.wait_dma2 semaphore(%arg20 : memref<!tpu.dma_semaphore, #tpu.memory_space<semaphore_mem>>) src(%dma_wait3A_57 : memref<80xi32, #tpu.memory_space<hbm>>) dst(%arg9 : memref<80xi32, #tpu.memory_space<vmem>>)
    %scan3A_58 = arith.constant 0 : i32
    %scan3A_59 = arith.constant 0 : i32
    %scan3A_60 = arith.constant 40 : i32
    %scan3A_61 = arith.addi %scan3A_59, %scan3A_60 : i32
    %scan3A_62 = arith.constant 1 : i32
    scf.for %scan3A_81 = %scan3A_59 to %scan3A_61 step %scan3A_62  : i32 {
      %add3A_82 = arith.constant 0 : i32
      %add3A_83 = arith.addi %add3A_82, %scan3A_81 : i32
      %get3A = arith.index_cast %scan3A_81 : i32 to index
      %get3A_84 = arith.constant 0 : index
      %get3A_85 = tpu.vector_load %arg13[%get3A, %get3A_84] {strides = array<i32>} : memref<40x128xi32, #tpu.memory_space<vmem>>, vector<1x16xi32>,
      %get3A_86 = vector.shape_cast %get3A_85 : vector<1x16xi32> to vector<16xi32>
      %shift_left3A = arith.shli %get3A_86, %broadcast_in_dim3A_13 : vector<16xi32>
      %bitcast_convert_type3A = tpu.bitcast %shift_left3A : vector<16xi32> -> vector<16xf32>
      %and3A = arith.andi %get3A_86, %broadcast_in_dim3A_11 : vector<16xi32>
      %bitcast_convert_type3A_87 = tpu.bitcast %and3A : vector<16xi32> -> vector<16xf32>
      %get3A_88 = arith.index_cast %add3A_83 : i32 to index
      %get3A_89 = arith.constant 0 : index
      %get3A_90 = tpu.vector_load %arg11[%get3A_88, %get3A_89] {strides = array<i32>} : memref<80x128xf32, #tpu.memory_space<vmem>>, vector<1x16xf32>,
      %get3A_91 = vector.shape_cast %get3A_90 : vector<1x16xf32> to vector<16xf32>
      %add3A_92 = arith.addf %get3A_91, %bitcast_convert_type3A : vector<16xf32>
      %max3A = arith.constant 0.000000e+00 : f32
      %max3A_93 = vector.broadcast %max3A : f32 to vector<16xf32>
      %max3A_94 = arith.maximumf %add3A_92, %max3A_93 : vector<16xf32>
      %swap3A = arith.index_cast %add3A_83 : i32 to index
      %swap3A_95 = arith.constant 0 : index
      %swap3A_96 = tpu.vector_load %arg11[%swap3A, %swap3A_95] {strides = array<i32>} : memref<80x128xf32, #tpu.memory_space<vmem>>, vector<1x16xf32>,
      %swap3A_97 = vector.shape_cast %swap3A_96 : vector<1x16xf32> to vector<16xf32>
      %swap3A_98 = vector.shape_cast %max3A_94 : vector<16xf32> to vector<1x16xf32>
      tpu.vector_store %arg11[%swap3A, %swap3A_95], %swap3A_98 {strides = array<i32>} : memref<80x128xf32, #tpu.memory_space<vmem>>, vector<1x16xf32>,
      %get3A_99 = arith.index_cast %add3A_83 : i32 to index
      %get3A_100 = arith.constant 16 : index
      %get3A_101 = tpu.vector_load %arg11[%get3A_99, %get3A_100] {strides = array<i32>} : memref<80x128xf32, #tpu.memory_space<vmem>>, vector<1x16xf32>,
      %get3A_102 = vector.shape_cast %get3A_101 : vector<1x16xf32> to vector<16xf32>
      %add3A_103 = arith.addf %get3A_102, %bitcast_convert_type3A_87 : vector<16xf32>
      %max3A_104 = arith.constant 0.000000e+00 : f32
      %max3A_105 = vector.broadcast %max3A_104 : f32 to vector<16xf32>
      %max3A_106 = arith.maximumf %add3A_103, %max3A_105 : vector<16xf32>
      %swap3A_107 = arith.index_cast %add3A_83 : i32 to index
      %swap3A_108 = arith.constant 16 : index
      %swap3A_109 = tpu.vector_load %arg11[%swap3A_107, %swap3A_108] {strides = array<i32>} : memref<80x128xf32, #tpu.memory_space<vmem>>, vector<1x16xf32>,
      %swap3A_110 = vector.shape_cast %swap3A_109 : vector<1x16xf32> to vector<16xf32>
      %swap3A_111 = vector.shape_cast %max3A_106 : vector<16xf32> to vector<1x16xf32>
      tpu.vector_store %arg11[%swap3A_107, %swap3A_108], %swap3A_111 {strides = array<i32>} : memref<80x128xf32, #tpu.memory_space<vmem>>, vector<1x16xf32>,
      %get3A_112 = arith.index_cast %scan3A_81 : i32 to index
      %get3A_113 = arith.constant 16 : index
      %get3A_114 = tpu.vector_load %arg13[%get3A_112, %get3A_113] {strides = array<i32>} : memref<40x128xi32, #tpu.memory_space<vmem>>, vector<1x16xi32>,
      %get3A_115 = vector.shape_cast %get3A_114 : vector<1x16xi32> to vector<16xi32>
      %shift_left3A_116 = arith.shli %get3A_115, %broadcast_in_dim3A_13 : vector<16xi32>
      %bitcast_convert_type3A_117 = tpu.bitcast %shift_left3A_116 : vector<16xi32> -> vector<16xf32>
      %and3A_118 = arith.andi %get3A_115, %broadcast_in_dim3A_11 : vector<16xi32>
      %bitcast_convert_type3A_119 = tpu.bitcast %and3A_118 : vector<16xi32> -> vector<16xf32>
      %get3A_120 = arith.index_cast %add3A_83 : i32 to index
      %get3A_121 = arith.constant 32 : index
      %get3A_122 = tpu.vector_load %arg11[%get3A_120, %get3A_121] {strides = array<i32>} : memref<80x128xf32, #tpu.memory_space<vmem>>, vector<1x16xf32>,
      %get3A_123 = vector.shape_cast %get3A_122 : vector<1x16xf32> to vector<16xf32>
      %add3A_124 = arith.addf %get3A_123, %bitcast_convert_type3A_117 : vector<16xf32>
      %max3A_125 = arith.constant 0.000000e+00 : f32
      %max3A_126 = vector.broadcast %max3A_125 : f32 to vector<16xf32>
      %max3A_127 = arith.maximumf %add3A_124, %max3A_126 : vector<16xf32>
      %swap3A_128 = arith.index_cast %add3A_83 : i32 to index
      %swap3A_129 = arith.constant 32 : index
      %swap3A_130 = tpu.vector_load %arg11[%swap3A_128, %swap3A_129] {strides = array<i32>} : memref<80x128xf32, #tpu.memory_space<vmem>>, vector<1x16xf32>,
      %swap3A_131 = vector.shape_cast %swap3A_130 : vector<1x16xf32> to vector<16xf32>
      %swap3A_132 = vector.shape_cast %max3A_127 : vector<16xf32> to vector<1x16xf32>
      tpu.vector_store %arg11[%swap3A_128, %swap3A_129], %swap3A_132 {strides = array<i32>} : memref<80x128xf32, #tpu.memory_space<vmem>>, vector<1x16xf32>,
      %get3A_133 = arith.index_cast %add3A_83 : i32 to index
      %get3A_134 = arith.constant 48 : index
      %get3A_135 = tpu.vector_load %arg11[%get3A_133, %get3A_134] {strides = array<i32>} : memref<80x128xf32, #tpu.memory_space<vmem>>, vector<1x16xf32>,
      %get3A_136 = vector.shape_cast %get3A_135 : vector<1x16xf32> to vector<16xf32>
      %add3A_137 = arith.addf %get3A_136, %bitcast_convert_type3A_119 : vector<16xf32>
      %max3A_138 = arith.constant 0.000000e+00 : f32
      %max3A_139 = vector.broadcast %max3A_138 : f32 to vector<16xf32>
      %max3A_140 = arith.maximumf %add3A_137, %max3A_139 : vector<16xf32>
      %swap3A_141 = arith.index_cast %add3A_83 : i32 to index
      %swap3A_142 = arith.constant 48 : index
      %swap3A_143 = tpu.vector_load %arg11[%swap3A_141, %swap3A_142] {strides = array<i32>} : memref<80x128xf32, #tpu.memory_space<vmem>>, vector<1x16xf32>,
      %swap3A_144 = vector.shape_cast %swap3A_143 : vector<1x16xf32> to vector<16xf32>
      %swap3A_145 = vector.shape_cast %max3A_140 : vector<16xf32> to vector<1x16xf32>
      tpu.vector_store %arg11[%swap3A_141, %swap3A_142], %swap3A_145 {strides = array<i32>} : memref<80x128xf32, #tpu.memory_space<vmem>>, vector<1x16xf32>,
      %get3A_146 = arith.index_cast %scan3A_81 : i32 to index
      %get3A_147 = arith.constant 32 : index
      %get3A_148 = tpu.vector_load %arg13[%get3A_146, %get3A_147] {strides = array<i32>} : memref<40x128xi32, #tpu.memory_space<vmem>>, vector<1x16xi32>,
      %get3A_149 = vector.shape_cast %get3A_148 : vector<1x16xi32> to vector<16xi32>
      %shift_left3A_150 = arith.shli %get3A_149, %broadcast_in_dim3A_13 : vector<16xi32>
      %bitcast_convert_type3A_151 = tpu.bitcast %shift_left3A_150 : vector<16xi32> -> vector<16xf32>
      %and3A_152 = arith.andi %get3A_149, %broadcast_in_dim3A_11 : vector<16xi32>
      %bitcast_convert_type3A_153 = tpu.bitcast %and3A_152 : vector<16xi32> -> vector<16xf32>
      %get3A_154 = arith.index_cast %add3A_83 : i32 to index
      %get3A_155 = arith.constant 64 : index
      %get3A_156 = tpu.vector_load %arg11[%get3A_154, %get3A_155] {strides = array<i32>} : memref<80x128xf32, #tpu.memory_space<vmem>>, vector<1x16xf32>,
      %get3A_157 = vector.shape_cast %get3A_156 : vector<1x16xf32> to vector<16xf32>
      %add3A_158 = arith.addf %get3A_157, %bitcast_convert_type3A_151 : vector<16xf32>
      %max3A_159 = arith.constant 0.000000e+00 : f32
      %max3A_160 = vector.broadcast %max3A_159 : f32 to vector<16xf32>
      %max3A_161 = arith.maximumf %add3A_158, %max3A_160 : vector<16xf32>
      %swap3A_162 = arith.index_cast %add3A_83 : i32 to index
      %swap3A_163 = arith.constant 64 : index
      %swap3A_164 = tpu.vector_load %arg11[%swap3A_162, %swap3A_163] {strides = array<i32>} : memref<80x128xf32, #tpu.memory_space<vmem>>, vector<1x16xf32>,
      %swap3A_165 = vector.shape_cast %swap3A_164 : vector<1x16xf32> to vector<16xf32>
      %swap3A_166 = vector.shape_cast %max3A_161 : vector<16xf32> to vector<1x16xf32>
      tpu.vector_store %arg11[%swap3A_162, %swap3A_163], %swap3A_166 {strides = array<i32>} : memref<80x128xf32, #tpu.memory_space<vmem>>, vector<1x16xf32>,
      %get3A_167 = arith.index_cast %add3A_83 : i32 to index
      %get3A_168 = arith.constant 80 : index
      %get3A_169 = tpu.vector_load %arg11[%get3A_167, %get3A_168] {strides = array<i32>} : memref<80x128xf32, #tpu.memory_space<vmem>>, vector<1x16xf32>,
      %get3A_170 = vector.shape_cast %get3A_169 : vector<1x16xf32> to vector<16xf32>
      %add3A_171 = arith.addf %get3A_170, %bitcast_convert_type3A_153 : vector<16xf32>
      %max3A_172 = arith.constant 0.000000e+00 : f32
      %max3A_173 = vector.broadcast %max3A_172 : f32 to vector<16xf32>
      %max3A_174 = arith.maximumf %add3A_171, %max3A_173 : vector<16xf32>
      %swap3A_175 = arith.index_cast %add3A_83 : i32 to index
      %swap3A_176 = arith.constant 80 : index
      %swap3A_177 = tpu.vector_load %arg11[%swap3A_175, %swap3A_176] {strides = array<i32>} : memref<80x128xf32, #tpu.memory_space<vmem>>, vector<1x16xf32>,
      %swap3A_178 = vector.shape_cast %swap3A_177 : vector<1x16xf32> to vector<16xf32>
      %swap3A_179 = vector.shape_cast %max3A_174 : vector<16xf32> to vector<1x16xf32>
      tpu.vector_store %arg11[%swap3A_175, %swap3A_176], %swap3A_179 {strides = array<i32>} : memref<80x128xf32, #tpu.memory_space<vmem>>, vector<1x16xf32>,
      %get3A_180 = arith.index_cast %scan3A_81 : i32 to index
      %get3A_181 = arith.constant 48 : index
      %get3A_182 = tpu.vector_load %arg13[%get3A_180, %get3A_181] {strides = array<i32>} : memref<40x128xi32, #tpu.memory_space<vmem>>, vector<1x16xi32>,
      %get3A_183 = vector.shape_cast %get3A_182 : vector<1x16xi32> to vector<16xi32>
      %shift_left3A_184 = arith.shli %get3A_183, %broadcast_in_dim3A_13 : vector<16xi32>
      %bitcast_convert_type3A_185 = tpu.bitcast %shift_left3A_184 : vector<16xi32> -> vector<16xf32>
      %and3A_186 = arith.andi %get3A_183, %broadcast_in_dim3A_11 : vector<16xi32>
      %bitcast_convert_type3A_187 = tpu.bitcast %and3A_186 : vector<16xi32> -> vector<16xf32>
      %get3A_188 = arith.index_cast %add3A_83 : i32 to index
      %get3A_189 = arith.constant 96 : index
      %get3A_190 = tpu.vector_load %arg11[%get3A_188, %get3A_189] {strides = array<i32>} : memref<80x128xf32, #tpu.memory_space<vmem>>, vector<1x16xf32>,
      %get3A_191 = vector.shape_cast %get3A_190 : vector<1x16xf32> to vector<16xf32>
      %add3A_192 = arith.addf %get3A_191, %bitcast_convert_type3A_185 : vector<16xf32>
      %max3A_193 = arith.constant 0.000000e+00 : f32
      %max3A_194 = vector.broadcast %max3A_193 : f32 to vector<16xf32>
      %max3A_195 = arith.maximumf %add3A_192, %max3A_194 : vector<16xf32>
      %swap3A_196 = arith.index_cast %add3A_83 : i32 to index
      %swap3A_197 = arith.constant 96 : index
      %swap3A_198 = tpu.vector_load %arg11[%swap3A_196, %swap3A_197] {strides = array<i32>} : memref<80x128xf32, #tpu.memory_space<vmem>>, vector<1x16xf32>,
      %swap3A_199 = vector.shape_cast %swap3A_198 : vector<1x16xf32> to vector<16xf32>
      %swap3A_200 = vector.shape_cast %max3A_195 : vector<16xf32> to vector<1x16xf32>
      tpu.vector_store %arg11[%swap3A_196, %swap3A_197], %swap3A_200 {strides = array<i32>} : memref<80x128xf32, #tpu.memory_space<vmem>>, vector<1x16xf32>,
      %get3A_201 = arith.index_cast %add3A_83 : i32 to index
      %get3A_202 = arith.constant 112 : index
      %get3A_203 = tpu.vector_load %arg11[%get3A_201, %get3A_202] {strides = array<i32>} : memref<80x128xf32, #tpu.memory_space<vmem>>, vector<1x16xf32>,
      %get3A_204 = vector.shape_cast %get3A_203 : vector<1x16xf32> to vector<16xf32>
      %add3A_205 = arith.addf %get3A_204, %bitcast_convert_type3A_187 : vector<16xf32>
      %max3A_206 = arith.constant 0.000000e+00 : f32
      %max3A_207 = vector.broadcast %max3A_206 : f32 to vector<16xf32>
      %max3A_208 = arith.maximumf %add3A_205, %max3A_207 : vector<16xf32>
      %swap3A_209 = arith.index_cast %add3A_83 : i32 to index
      %swap3A_210 = arith.constant 112 : index
      %swap3A_211 = tpu.vector_load %arg11[%swap3A_209, %swap3A_210] {strides = array<i32>} : memref<80x128xf32, #tpu.memory_space<vmem>>, vector<1x16xf32>,
      %swap3A_212 = vector.shape_cast %swap3A_211 : vector<1x16xf32> to vector<16xf32>
      %swap3A_213 = vector.shape_cast %max3A_208 : vector<16xf32> to vector<1x16xf32>
      tpu.vector_store %arg11[%swap3A_209, %swap3A_210], %swap3A_213 {strides = array<i32>} : memref<80x128xf32, #tpu.memory_space<vmem>>, vector<1x16xf32>,
      %add3A_214 = arith.constant 40 : i32
      %add3A_215 = arith.addi %add3A_214, %scan3A_81 : i32
      %get3A_216 = arith.index_cast %scan3A_81 : i32 to index
      %get3A_217 = arith.constant 64 : index
      %get3A_218 = tpu.vector_load %arg13[%get3A_216, %get3A_217] {strides = array<i32>} : memref<40x128xi32, #tpu.memory_space<vmem>>, vector<1x16xi32>,
      %get3A_219 = vector.shape_cast %get3A_218 : vector<1x16xi32> to vector<16xi32>
      %shift_left3A_220 = arith.shli %get3A_219, %broadcast_in_dim3A_13 : vector<16xi32>
      %bitcast_convert_type3A_221 = tpu.bitcast %shift_left3A_220 : vector<16xi32> -> vector<16xf32>
      %and3A_222 = arith.andi %get3A_219, %broadcast_in_dim3A_11 : vector<16xi32>
      %bitcast_convert_type3A_223 = tpu.bitcast %and3A_222 : vector<16xi32> -> vector<16xf32>
      %get3A_224 = arith.index_cast %add3A_215 : i32 to index
      %get3A_225 = arith.constant 0 : index
      %get3A_226 = tpu.vector_load %arg11[%get3A_224, %get3A_225] {strides = array<i32>} : memref<80x128xf32, #tpu.memory_space<vmem>>, vector<1x16xf32>,
      %get3A_227 = vector.shape_cast %get3A_226 : vector<1x16xf32> to vector<16xf32>
      %add3A_228 = arith.addf %get3A_227, %bitcast_convert_type3A_221 : vector<16xf32>
      %max3A_229 = arith.constant 0.000000e+00 : f32
      %max3A_230 = vector.broadcast %max3A_229 : f32 to vector<16xf32>
      %max3A_231 = arith.maximumf %add3A_228, %max3A_230 : vector<16xf32>
      %swap3A_232 = arith.index_cast %add3A_215 : i32 to index
      %swap3A_233 = arith.constant 0 : index
      %swap3A_234 = tpu.vector_load %arg11[%swap3A_232, %swap3A_233] {strides = array<i32>} : memref<80x128xf32, #tpu.memory_space<vmem>>, vector<1x16xf32>,
      %swap3A_235 = vector.shape_cast %swap3A_234 : vector<1x16xf32> to vector<16xf32>
      %swap3A_236 = vector.shape_cast %max3A_231 : vector<16xf32> to vector<1x16xf32>
      tpu.vector_store %arg11[%swap3A_232, %swap3A_233], %swap3A_236 {strides = array<i32>} : memref<80x128xf32, #tpu.memory_space<vmem>>, vector<1x16xf32>,
      %get3A_237 = arith.index_cast %add3A_215 : i32 to index
      %get3A_238 = arith.constant 16 : index
      %get3A_239 = tpu.vector_load %arg11[%get3A_237, %get3A_238] {strides = array<i32>} : memref<80x128xf32, #tpu.memory_space<vmem>>, vector<1x16xf32>,
      %get3A_240 = vector.shape_cast %get3A_239 : vector<1x16xf32> to vector<16xf32>
      %add3A_241 = arith.addf %get3A_240, %bitcast_convert_type3A_223 : vector<16xf32>
      %max3A_242 = arith.constant 0.000000e+00 : f32
      %max3A_243 = vector.broadcast %max3A_242 : f32 to vector<16xf32>
      %max3A_244 = arith.maximumf %add3A_241, %max3A_243 : vector<16xf32>
      %swap3A_245 = arith.index_cast %add3A_215 : i32 to index
      %swap3A_246 = arith.constant 16 : index
      %swap3A_247 = tpu.vector_load %arg11[%swap3A_245, %swap3A_246] {strides = array<i32>} : memref<80x128xf32, #tpu.memory_space<vmem>>, vector<1x16xf32>,
      %swap3A_248 = vector.shape_cast %swap3A_247 : vector<1x16xf32> to vector<16xf32>
      %swap3A_249 = vector.shape_cast %max3A_244 : vector<16xf32> to vector<1x16xf32>
      tpu.vector_store %arg11[%swap3A_245, %swap3A_246], %swap3A_249 {strides = array<i32>} : memref<80x128xf32, #tpu.memory_space<vmem>>, vector<1x16xf32>,
      %get3A_250 = arith.index_cast %scan3A_81 : i32 to index
      %get3A_251 = arith.constant 80 : index
      %get3A_252 = tpu.vector_load %arg13[%get3A_250, %get3A_251] {strides = array<i32>} : memref<40x128xi32, #tpu.memory_space<vmem>>, vector<1x16xi32>,
      %get3A_253 = vector.shape_cast %get3A_252 : vector<1x16xi32> to vector<16xi32>
      %shift_left3A_254 = arith.shli %get3A_253, %broadcast_in_dim3A_13 : vector<16xi32>
      %bitcast_convert_type3A_255 = tpu.bitcast %shift_left3A_254 : vector<16xi32> -> vector<16xf32>
      %and3A_256 = arith.andi %get3A_253, %broadcast_in_dim3A_11 : vector<16xi32>
      %bitcast_convert_type3A_257 = tpu.bitcast %and3A_256 : vector<16xi32> -> vector<16xf32>
      %get3A_258 = arith.index_cast %add3A_215 : i32 to index
      %get3A_259 = arith.constant 32 : index
      %get3A_260 = tpu.vector_load %arg11[%get3A_258, %get3A_259] {strides = array<i32>} : memref<80x128xf32, #tpu.memory_space<vmem>>, vector<1x16xf32>,
      %get3A_261 = vector.shape_cast %get3A_260 : vector<1x16xf32> to vector<16xf32>
      %add3A_262 = arith.addf %get3A_261, %bitcast_convert_type3A_255 : vector<16xf32>
      %max3A_263 = arith.constant 0.000000e+00 : f32
      %max3A_264 = vector.broadcast %max3A_263 : f32 to vector<16xf32>
      %max3A_265 = arith.maximumf %add3A_262, %max3A_264 : vector<16xf32>
      %swap3A_266 = arith.index_cast %add3A_215 : i32 to index
      %swap3A_267 = arith.constant 32 : index
      %swap3A_268 = tpu.vector_load %arg11[%swap3A_266, %swap3A_267] {strides = array<i32>} : memref<80x128xf32, #tpu.memory_space<vmem>>, vector<1x16xf32>,
      %swap3A_269 = vector.shape_cast %swap3A_268 : vector<1x16xf32> to vector<16xf32>
      %swap3A_270 = vector.shape_cast %max3A_265 : vector<16xf32> to vector<1x16xf32>
      tpu.vector_store %arg11[%swap3A_266, %swap3A_267], %swap3A_270 {strides = array<i32>} : memref<80x128xf32, #tpu.memory_space<vmem>>, vector<1x16xf32>,
      %get3A_271 = arith.index_cast %add3A_215 : i32 to index
      %get3A_272 = arith.constant 48 : index
      %get3A_273 = tpu.vector_load %arg11[%get3A_271, %get3A_272] {strides = array<i32>} : memref<80x128xf32, #tpu.memory_space<vmem>>, vector<1x16xf32>,
      %get3A_274 = vector.shape_cast %get3A_273 : vector<1x16xf32> to vector<16xf32>
      %add3A_275 = arith.addf %get3A_274, %bitcast_convert_type3A_257 : vector<16xf32>
      %max3A_276 = arith.constant 0.000000e+00 : f32
      %max3A_277 = vector.broadcast %max3A_276 : f32 to vector<16xf32>
      %max3A_278 = arith.maximumf %add3A_275, %max3A_277 : vector<16xf32>
      %swap3A_279 = arith.index_cast %add3A_215 : i32 to index
      %swap3A_280 = arith.constant 48 : index
      %swap3A_281 = tpu.vector_load %arg11[%swap3A_279, %swap3A_280] {strides = array<i32>} : memref<80x128xf32, #tpu.memory_space<vmem>>, vector<1x16xf32>,
      %swap3A_282 = vector.shape_cast %swap3A_281 : vector<1x16xf32> to vector<16xf32>
      %swap3A_283 = vector.shape_cast %max3A_278 : vector<16xf32> to vector<1x16xf32>
      tpu.vector_store %arg11[%swap3A_279, %swap3A_280], %swap3A_283 {strides = array<i32>} : memref<80x128xf32, #tpu.memory_space<vmem>>, vector<1x16xf32>,
      %get3A_284 = arith.index_cast %scan3A_81 : i32 to index
      %get3A_285 = arith.constant 96 : index
      %get3A_286 = tpu.vector_load %arg13[%get3A_284, %get3A_285] {strides = array<i32>} : memref<40x128xi32, #tpu.memory_space<vmem>>, vector<1x16xi32>,
      %get3A_287 = vector.shape_cast %get3A_286 : vector<1x16xi32> to vector<16xi32>
      %shift_left3A_288 = arith.shli %get3A_287, %broadcast_in_dim3A_13 : vector<16xi32>
      %bitcast_convert_type3A_289 = tpu.bitcast %shift_left3A_288 : vector<16xi32> -> vector<16xf32>
      %and3A_290 = arith.andi %get3A_287, %broadcast_in_dim3A_11 : vector<16xi32>
      %bitcast_convert_type3A_291 = tpu.bitcast %and3A_290 : vector<16xi32> -> vector<16xf32>
      %get3A_292 = arith.index_cast %add3A_215 : i32 to index
      %get3A_293 = arith.constant 64 : index
      %get3A_294 = tpu.vector_load %arg11[%get3A_292, %get3A_293] {strides = array<i32>} : memref<80x128xf32, #tpu.memory_space<vmem>>, vector<1x16xf32>,
      %get3A_295 = vector.shape_cast %get3A_294 : vector<1x16xf32> to vector<16xf32>
      %add3A_296 = arith.addf %get3A_295, %bitcast_convert_type3A_289 : vector<16xf32>
      %max3A_297 = arith.constant 0.000000e+00 : f32
      %max3A_298 = vector.broadcast %max3A_297 : f32 to vector<16xf32>
      %max3A_299 = arith.maximumf %add3A_296, %max3A_298 : vector<16xf32>
      %swap3A_300 = arith.index_cast %add3A_215 : i32 to index
      %swap3A_301 = arith.constant 64 : index
      %swap3A_302 = tpu.vector_load %arg11[%swap3A_300, %swap3A_301] {strides = array<i32>} : memref<80x128xf32, #tpu.memory_space<vmem>>, vector<1x16xf32>,
      %swap3A_303 = vector.shape_cast %swap3A_302 : vector<1x16xf32> to vector<16xf32>
      %swap3A_304 = vector.shape_cast %max3A_299 : vector<16xf32> to vector<1x16xf32>
      tpu.vector_store %arg11[%swap3A_300, %swap3A_301], %swap3A_304 {strides = array<i32>} : memref<80x128xf32, #tpu.memory_space<vmem>>, vector<1x16xf32>,
      %get3A_305 = arith.index_cast %add3A_215 : i32 to index
      %get3A_306 = arith.constant 80 : index
      %get3A_307 = tpu.vector_load %arg11[%get3A_305, %get3A_306] {strides = array<i32>} : memref<80x128xf32, #tpu.memory_space<vmem>>, vector<1x16xf32>,
      %get3A_308 = vector.shape_cast %get3A_307 : vector<1x16xf32> to vector<16xf32>
      %add3A_309 = arith.addf %get3A_308, %bitcast_convert_type3A_291 : vector<16xf32>
      %max3A_310 = arith.constant 0.000000e+00 : f32
      %max3A_311 = vector.broadcast %max3A_310 : f32 to vector<16xf32>
      %max3A_312 = arith.maximumf %add3A_309, %max3A_311 : vector<16xf32>
      %swap3A_313 = arith.index_cast %add3A_215 : i32 to index
      %swap3A_314 = arith.constant 80 : index
      %swap3A_315 = tpu.vector_load %arg11[%swap3A_313, %swap3A_314] {strides = array<i32>} : memref<80x128xf32, #tpu.memory_space<vmem>>, vector<1x16xf32>,
      %swap3A_316 = vector.shape_cast %swap3A_315 : vector<1x16xf32> to vector<16xf32>
      %swap3A_317 = vector.shape_cast %max3A_312 : vector<16xf32> to vector<1x16xf32>
      tpu.vector_store %arg11[%swap3A_313, %swap3A_314], %swap3A_317 {strides = array<i32>} : memref<80x128xf32, #tpu.memory_space<vmem>>, vector<1x16xf32>,
      %get3A_318 = arith.index_cast %scan3A_81 : i32 to index
      %get3A_319 = arith.constant 112 : index
      %get3A_320 = tpu.vector_load %arg13[%get3A_318, %get3A_319] {strides = array<i32>} : memref<40x128xi32, #tpu.memory_space<vmem>>, vector<1x16xi32>,
      %get3A_321 = vector.shape_cast %get3A_320 : vector<1x16xi32> to vector<16xi32>
      %shift_left3A_322 = arith.shli %get3A_321, %broadcast_in_dim3A_13 : vector<16xi32>
      %bitcast_convert_type3A_323 = tpu.bitcast %shift_left3A_322 : vector<16xi32> -> vector<16xf32>
      %and3A_324 = arith.andi %get3A_321, %broadcast_in_dim3A_11 : vector<16xi32>
      %bitcast_convert_type3A_325 = tpu.bitcast %and3A_324 : vector<16xi32> -> vector<16xf32>
      %get3A_326 = arith.index_cast %add3A_215 : i32 to index
      %get3A_327 = arith.constant 96 : index
      %get3A_328 = tpu.vector_load %arg11[%get3A_326, %get3A_327] {strides = array<i32>} : memref<80x128xf32, #tpu.memory_space<vmem>>, vector<1x16xf32>,
      %get3A_329 = vector.shape_cast %get3A_328 : vector<1x16xf32> to vector<16xf32>
      %add3A_330 = arith.addf %get3A_329, %bitcast_convert_type3A_323 : vector<16xf32>
      %max3A_331 = arith.constant 0.000000e+00 : f32
      %max3A_332 = vector.broadcast %max3A_331 : f32 to vector<16xf32>
      %max3A_333 = arith.maximumf %add3A_330, %max3A_332 : vector<16xf32>
      %swap3A_334 = arith.index_cast %add3A_215 : i32 to index
      %swap3A_335 = arith.constant 96 : index
      %swap3A_336 = tpu.vector_load %arg11[%swap3A_334, %swap3A_335] {strides = array<i32>} : memref<80x128xf32, #tpu.memory_space<vmem>>, vector<1x16xf32>,
      %swap3A_337 = vector.shape_cast %swap3A_336 : vector<1x16xf32> to vector<16xf32>
      %swap3A_338 = vector.shape_cast %max3A_333 : vector<16xf32> to vector<1x16xf32>
      tpu.vector_store %arg11[%swap3A_334, %swap3A_335], %swap3A_338 {strides = array<i32>} : memref<80x128xf32, #tpu.memory_space<vmem>>, vector<1x16xf32>,
      %get3A_339 = arith.index_cast %add3A_215 : i32 to index
      %get3A_340 = arith.constant 112 : index
      %get3A_341 = tpu.vector_load %arg11[%get3A_339, %get3A_340] {strides = array<i32>} : memref<80x128xf32, #tpu.memory_space<vmem>>, vector<1x16xf32>,
      %get3A_342 = vector.shape_cast %get3A_341 : vector<1x16xf32> to vector<16xf32>
      %add3A_343 = arith.addf %get3A_342, %bitcast_convert_type3A_325 : vector<16xf32>
      %max3A_344 = arith.constant 0.000000e+00 : f32
      %max3A_345 = vector.broadcast %max3A_344 : f32 to vector<16xf32>
      %max3A_346 = arith.maximumf %add3A_343, %max3A_345 : vector<16xf32>
      %swap3A_347 = arith.index_cast %add3A_215 : i32 to index
      %swap3A_348 = arith.constant 112 : index
      %swap3A_349 = tpu.vector_load %arg11[%swap3A_347, %swap3A_348] {strides = array<i32>} : memref<80x128xf32, #tpu.memory_space<vmem>>, vector<1x16xf32>,
      %swap3A_350 = vector.shape_cast %swap3A_349 : vector<1x16xf32> to vector<16xf32>
      %swap3A_351 = vector.shape_cast %max3A_346 : vector<16xf32> to vector<1x16xf32>
      tpu.vector_store %arg11[%swap3A_347, %swap3A_348], %swap3A_351 {strides = array<i32>} : memref<80x128xf32, #tpu.memory_space<vmem>>, vector<1x16xf32>,
    }
    %scan3A_63 = arith.constant 40 : i32
    %dma_start3A_64 = arith.constant 0 : i32
    %dma_start3A_65 = arith.constant 0 : i32
    %dma_start3A_66 = tpu.memref_slice %arg15[%dma_start3A_64, %dma_start3A_65] : memref<10000x128xf32, #tpu.memory_space<vmem_shared>> -> memref<10000x128xf32, #tpu.memory_space<vmem_shared>>
    tpu.enqueue_indirect_dma source(%arg11 : memref<80x128xf32, #tpu.memory_space<vmem>>) target(%dma_start3A_66 : memref<10000x128xf32, #tpu.memory_space<vmem_shared>>) offsets(%arg9 : memref<80xi32, #tpu.memory_space<vmem>>) semaphore(%arg22 : memref<!tpu.dma_semaphore, #tpu.memory_space<semaphore_mem>>) {add = true}
    %dma_wait3A_67 = arith.constant 0 : i32
    %dma_wait3A_68 = arith.constant 0 : i32
    %dma_wait3A_69 = tpu.memref_slice %arg15[%dma_wait3A_67, %dma_wait3A_68] : memref<10000x128xf32, #tpu.memory_space<vmem_shared>> -> memref<10000x128xf32, #tpu.memory_space<vmem_shared>>
    tpu.wait_indirect_dma semaphore(%arg22 : memref<!tpu.dma_semaphore, #tpu.memory_space<semaphore_mem>>) src(%arg11 : memref<80x128xf32, #tpu.memory_space<vmem>>) dst(%dma_wait3A_69 : memref<10000x128xf32, #tpu.memory_space<vmem_shared>>)
    %barrier3A_70 = arith.constant 0 : index
    tpu.barrier barrier_id(%barrier3A_70)
    %lt3A_71 = arith.constant 15 : i32
    %lt3A_72 = arith.cmpi slt, %arg1, %lt3A_71 : i32
    %convert_element_type3A_73 = arith.extui %lt3A_72 : i1 to i32
    %cond3A_74 = arith.constant 0 : i32
    %cond3A_75 = arith.cmpi ne, %convert_element_type3A_73, %cond3A_74 : i32
    scf.if %cond3A_75 {
      %mul3A_81 = arith.constant 640 : i32
      %mul3A_82 = arith.muli %arg1, %mul3A_81 : i32
      %mul3A_83 = arith.constant 640 : i32
      %mul3A_84 = arith.muli %arg1, %mul3A_83 : i32
      "tpu.region"() ({
        %run_scoped3A = tpu.sem_alloc : memref<!tpu.dma_semaphore, #tpu.memory_space<semaphore_mem>>
        %dma_start3A_85 = arith.constant 0 : i32
        %dma_start3A_86 = arith.constant 0 : i32
        %dma_start3A_87 = tpu.memref_slice %arg7[%arg0, %dma_start3A_85, %dma_start3A_86] : memref<2x10000x128xf32, #tpu.memory_space<hbm>> -> memref<1x10000x128xf32, #tpu.memory_space<hbm>>
        %dma_start3A_88 = tpu.memref_squeeze %dma_start3A_87 : memref<1x10000x128xf32, #tpu.memory_space<hbm>> -> memref<10000x128xf32, #tpu.memory_space<hbm>>
        %dma_start3A_89 = arith.constant 0 : i32
        %dma_start3A_90 = tpu.memref_slice %dma_start3A_88[%mul3A_84, %dma_start3A_89] : memref<10000x128xf32, #tpu.memory_space<hbm>> -> memref<640x128xf32, #tpu.memory_space<hbm>>
        %dma_start3A_91 = arith.constant 0 : i32
        %dma_start3A_92 = tpu.memref_slice %arg15[%mul3A_82, %dma_start3A_91] : memref<10000x128xf32, #tpu.memory_space<vmem_shared>> -> memref<640x128xf32, #tpu.memory_space<vmem_shared>>
        tpu.enqueue_dma source(%dma_start3A_92 : memref<640x128xf32, #tpu.memory_space<vmem_shared>>) target(%dma_start3A_90 : memref<640x128xf32, #tpu.memory_space<hbm>>) target_semaphore(%run_scoped3A : memref<!tpu.dma_semaphore, #tpu.memory_space<semaphore_mem>>)
        %dma_wait3A_93 = arith.constant 0 : i32
        %dma_wait3A_94 = arith.constant 0 : i32
        %dma_wait3A_95 = tpu.memref_slice %arg7[%arg0, %dma_wait3A_93, %dma_wait3A_94] : memref<2x10000x128xf32, #tpu.memory_space<hbm>> -> memref<1x10000x128xf32, #tpu.memory_space<hbm>>
        %dma_wait3A_96 = tpu.memref_squeeze %dma_wait3A_95 : memref<1x10000x128xf32, #tpu.memory_space<hbm>> -> memref<10000x128xf32, #tpu.memory_space<hbm>>
        %dma_wait3A_97 = arith.constant 0 : i32
        %dma_wait3A_98 = tpu.memref_slice %dma_wait3A_96[%mul3A_84, %dma_wait3A_97] : memref<10000x128xf32, #tpu.memory_space<hbm>> -> memref<640x128xf32, #tpu.memory_space<hbm>>
        %dma_wait3A_99 = arith.constant 0 : i32
        %dma_wait3A_100 = tpu.memref_slice %arg15[%mul3A_82, %dma_wait3A_99] : memref<10000x128xf32, #tpu.memory_space<vmem_shared>> -> memref<640x128xf32, #tpu.memory_space<vmem_shared>>
        tpu.wait_dma2 semaphore(%run_scoped3A : memref<!tpu.dma_semaphore, #tpu.memory_space<semaphore_mem>>) src(%dma_wait3A_100 : memref<640x128xf32, #tpu.memory_space<vmem_shared>>) dst(%dma_wait3A_98 : memref<640x128xf32, #tpu.memory_space<hbm>>)
        tpu.yield
      }) : () -> ()
    } else {
    }
    %eq3A_76 = arith.constant 15 : i32
    %eq3A_77 = arith.cmpi eq, %arg1, %eq3A_76 : i32
    %convert_element_type3A_78 = arith.extui %eq3A_77 : i1 to i32
    %cond3A_79 = arith.constant 0 : i32
    %cond3A_80 = arith.cmpi ne, %convert_element_type3A_78, %cond3A_79 : i32
    scf.if %cond3A_80 {
      "tpu.region"() ({
        %run_scoped3A = tpu.sem_alloc : memref<!tpu.dma_semaphore, #tpu.memory_space<semaphore_mem>>
        %dma_start3A_81 = arith.constant 0 : i32
        %dma_start3A_82 = arith.constant 0 : i32
        %dma_start3A_83 = tpu.memref_slice %arg7[%arg0, %dma_start3A_81, %dma_start3A_82] : memref<2x10000x128xf32, #tpu.memory_space<hbm>> -> memref<1x10000x128xf32, #tpu.memory_space<hbm>>
        %dma_start3A_84 = tpu.memref_squeeze %dma_start3A_83 : memref<1x10000x128xf32, #tpu.memory_space<hbm>> -> memref<10000x128xf32, #tpu.memory_space<hbm>>
        %dma_start3A_85 = arith.constant 9600 : i32
        %dma_start3A_86 = arith.constant 0 : i32
        %dma_start3A_87 = tpu.memref_slice %dma_start3A_84[%dma_start3A_85, %dma_start3A_86] : memref<10000x128xf32, #tpu.memory_space<hbm>> -> memref<400x128xf32, #tpu.memory_space<hbm>>
        %dma_start3A_88 = arith.constant 9600 : i32
        %dma_start3A_89 = arith.constant 0 : i32
        %dma_start3A_90 = tpu.memref_slice %arg15[%dma_start3A_88, %dma_start3A_89] : memref<10000x128xf32, #tpu.memory_space<vmem_shared>> -> memref<400x128xf32, #tpu.memory_space<vmem_shared>>
        tpu.enqueue_dma source(%dma_start3A_90 : memref<400x128xf32, #tpu.memory_space<vmem_shared>>) target(%dma_start3A_87 : memref<400x128xf32, #tpu.memory_space<hbm>>) target_semaphore(%run_scoped3A : memref<!tpu.dma_semaphore, #tpu.memory_space<semaphore_mem>>)
        %dma_wait3A_91 = arith.constant 0 : i32
        %dma_wait3A_92 = arith.constant 0 : i32
        %dma_wait3A_93 = tpu.memref_slice %arg7[%arg0, %dma_wait3A_91, %dma_wait3A_92] : memref<2x10000x128xf32, #tpu.memory_space<hbm>> -> memref<1x10000x128xf32, #tpu.memory_space<hbm>>
        %dma_wait3A_94 = tpu.memref_squeeze %dma_wait3A_93 : memref<1x10000x128xf32, #tpu.memory_space<hbm>> -> memref<10000x128xf32, #tpu.memory_space<hbm>>
        %dma_wait3A_95 = arith.constant 9600 : i32
        %dma_wait3A_96 = arith.constant 0 : i32
        %dma_wait3A_97 = tpu.memref_slice %dma_wait3A_94[%dma_wait3A_95, %dma_wait3A_96] : memref<10000x128xf32, #tpu.memory_space<hbm>> -> memref<400x128xf32, #tpu.memory_space<hbm>>
        %dma_wait3A_98 = arith.constant 9600 : i32
        %dma_wait3A_99 = arith.constant 0 : i32
        %dma_wait3A_100 = tpu.memref_slice %arg15[%dma_wait3A_98, %dma_wait3A_99] : memref<10000x128xf32, #tpu.memory_space<vmem_shared>> -> memref<400x128xf32, #tpu.memory_space<vmem_shared>>
        tpu.wait_dma2 semaphore(%run_scoped3A : memref<!tpu.dma_semaphore, #tpu.memory_space<semaphore_mem>>) src(%dma_wait3A_100 : memref<400x128xf32, #tpu.memory_space<vmem_shared>>) dst(%dma_wait3A_97 : memref<400x128xf32, #tpu.memory_space<hbm>>)
        tpu.yield
      }) : () -> ()
    } else {
    }
    return
  }
}

module attributes {stable_mosaic.version = 14 : i64} {
  func.func @_ea_body(%arg0: i32, %arg1: memref<8000x16xf32, #tpu.memory_space<vmem>>, %arg2: memref<8000x16xf32, #tpu.memory_space<vmem>>, %arg3: memref<16x64xf32, #tpu.memory_space<vmem>>, %arg4: memref<16x64xf32, #tpu.memory_space<vmem>>, %arg5: memref<1x64xf32, #tpu.memory_space<vmem>>, %arg6: memref<1x64xf32, #tpu.memory_space<vmem>>, %arg7: memref<8000x128xi32, #tpu.memory_space<vmem>>) attributes {dimension_semantics = [#tpu.dimension_semantics<arbitrary>], iteration_bounds = array<i64: 20>, scalar_prefetch = 0 : i64, scratch_operands = 0 : i64, tpu.core_type = #tpu.core_type<tc>, window_params = [{transform_indices = @transform_0, window_bounds = array<i64: 8000, 16>}, {transform_indices = @transform_1, window_bounds = array<i64: 8000, 16>}, {pipeline_mode = #tpu.pipeline_mode<synchronous>, transform_indices = @transform_2, window_bounds = array<i64: 16, 64>}, {pipeline_mode = #tpu.pipeline_mode<synchronous>, transform_indices = @transform_3, window_bounds = array<i64: 16, 64>}, {pipeline_mode = #tpu.pipeline_mode<synchronous>, transform_indices = @transform_4, window_bounds = array<i64: 1, 64>}, {pipeline_mode = #tpu.pipeline_mode<synchronous>, transform_indices = @transform_5, window_bounds = array<i64: 1, 64>}, {transform_indices = @transform_6, window_bounds = array<i64: 8000, 128>}]} {
    %get3A = arith.constant 0 : index
    %get3A_0 = arith.constant 0 : index
    %get3A_1 = vector.load %arg1[%get3A, %get3A_0] : memref<8000x16xf32, #tpu.memory_space<vmem>>, vector<8000x16xf32>
    %get3A_2 = arith.constant 0 : index
    %get3A_3 = arith.constant 0 : index
    %get3A_4 = vector.load %arg3[%get3A_2, %get3A_3] : memref<16x64xf32, #tpu.memory_space<vmem>>, vector<16x64xf32>
    %dot_general3A = arith.constant dense<0.000000e+00> : vector<8000x64xf32>
    %dot_general3A_5 = tpu.matmul %get3A_1, %get3A_4, %dot_general3A {dimension_numbers = #tpu.dot_dimension_numbers<[1], [0], [0], [1], [0, 0, 1, 1], [], []>, transpose_lhs_hint = false} : vector<8000x16xf32>, vector<16x64xf32>, vector<8000x64xf32> -> vector<8000x64xf32>
    %get3A_6 = arith.constant 0 : index
    %get3A_7 = arith.constant 0 : index
    %get3A_8 = vector.load %arg5[%get3A_6, %get3A_7] : memref<1x64xf32, #tpu.memory_space<vmem>>, vector<1x64xf32>
    %add3A = vector.broadcast %get3A_8 : vector<1x64xf32> to vector<8000x64xf32>
    %add3A_9 = arith.addf %dot_general3A_5, %add3A : vector<8000x64xf32>
    %get3A_10 = arith.constant 0 : index
    %get3A_11 = arith.constant 0 : index
    %get3A_12 = vector.load %arg4[%get3A_10, %get3A_11] : memref<16x64xf32, #tpu.memory_space<vmem>>, vector<16x64xf32>
    %dot_general3A_13 = arith.constant dense<0.000000e+00> : vector<8000x64xf32>
    %dot_general3A_14 = tpu.matmul %get3A_1, %get3A_12, %dot_general3A_13 {dimension_numbers = #tpu.dot_dimension_numbers<[1], [0], [0], [1], [0, 0, 1, 1], [], []>, transpose_lhs_hint = false} : vector<8000x16xf32>, vector<16x64xf32>, vector<8000x64xf32> -> vector<8000x64xf32>
    %get3A_15 = arith.constant 0 : index
    %get3A_16 = arith.constant 0 : index
    %get3A_17 = vector.load %arg6[%get3A_15, %get3A_16] : memref<1x64xf32, #tpu.memory_space<vmem>>, vector<1x64xf32>
    %add3A_18 = vector.broadcast %get3A_17 : vector<1x64xf32> to vector<8000x64xf32>
    %add3A_19 = arith.addf %dot_general3A_14, %add3A_18 : vector<8000x64xf32>
    %bitcast_convert_type3A = tpu.bitcast %add3A_9 : vector<8000x64xf32> -> vector<8000x64xi32>
    %add3A_20 = arith.constant 32767 : i32
    %add3A_21 = vector.broadcast %add3A_20 : i32 to vector<8000x64xi32>
    %add3A_22 = arith.addi %bitcast_convert_type3A, %add3A_21 : vector<8000x64xi32>
    %shift_right_logical3A = arith.constant 16 : i32
    %shift_right_logical3A_23 = vector.broadcast %shift_right_logical3A : i32 to vector<8000x64xi32>
    %shift_right_logical3A_24 = arith.shrui %bitcast_convert_type3A, %shift_right_logical3A_23 : vector<8000x64xi32>
    %and3A = arith.constant 1 : i32
    %and3A_25 = vector.broadcast %and3A : i32 to vector<8000x64xi32>
    %and3A_26 = arith.andi %shift_right_logical3A_24, %and3A_25 : vector<8000x64xi32>
    %add3A_27 = arith.addi %add3A_22, %and3A_26 : vector<8000x64xi32>
    %shift_right_logical3A_28 = arith.constant 16 : i32
    %shift_right_logical3A_29 = vector.broadcast %shift_right_logical3A_28 : i32 to vector<8000x64xi32>
    %shift_right_logical3A_30 = arith.shrui %add3A_27, %shift_right_logical3A_29 : vector<8000x64xi32>
    %bitcast_convert_type3A_31 = tpu.bitcast %add3A_19 : vector<8000x64xf32> -> vector<8000x64xi32>
    %add3A_32 = arith.constant 32767 : i32
    %add3A_33 = vector.broadcast %add3A_32 : i32 to vector<8000x64xi32>
    %add3A_34 = arith.addi %bitcast_convert_type3A_31, %add3A_33 : vector<8000x64xi32>
    %shift_right_logical3A_35 = arith.constant 16 : i32
    %shift_right_logical3A_36 = vector.broadcast %shift_right_logical3A_35 : i32 to vector<8000x64xi32>
    %shift_right_logical3A_37 = arith.shrui %bitcast_convert_type3A_31, %shift_right_logical3A_36 : vector<8000x64xi32>
    %and3A_38 = arith.constant 1 : i32
    %and3A_39 = vector.broadcast %and3A_38 : i32 to vector<8000x64xi32>
    %and3A_40 = arith.andi %shift_right_logical3A_37, %and3A_39 : vector<8000x64xi32>
    %add3A_41 = arith.addi %add3A_34, %and3A_40 : vector<8000x64xi32>
    %shift_right_logical3A_42 = arith.constant 16 : i32
    %shift_right_logical3A_43 = vector.broadcast %shift_right_logical3A_42 : i32 to vector<8000x64xi32>
    %shift_right_logical3A_44 = arith.shrui %add3A_41, %shift_right_logical3A_43 : vector<8000x64xi32>
    %shift_left3A = arith.constant 16 : i32
    %shift_left3A_45 = vector.broadcast %shift_left3A : i32 to vector<8000x64xi32>
    %shift_left3A_46 = arith.shli %shift_right_logical3A_44, %shift_left3A_45 : vector<8000x64xi32>
    %or3A = arith.ori %shift_right_logical3A_30, %shift_left3A_46 : vector<8000x64xi32>
    %bitcast_convert_type3A_47 = tpu.bitcast %or3A : vector<8000x64xi32> -> vector<8000x64xi32>
    %get3A_48 = arith.constant 0 : index
    %get3A_49 = arith.constant 0 : index
    %get3A_50 = vector.load %arg2[%get3A_48, %get3A_49] : memref<8000x16xf32, #tpu.memory_space<vmem>>, vector<8000x16xf32>
    %get3A_51 = arith.constant 0 : index
    %get3A_52 = arith.constant 0 : index
    %get3A_53 = vector.load %arg3[%get3A_51, %get3A_52] : memref<16x64xf32, #tpu.memory_space<vmem>>, vector<16x64xf32>
    %dot_general3A_54 = arith.constant dense<0.000000e+00> : vector<8000x64xf32>
    %dot_general3A_55 = tpu.matmul %get3A_50, %get3A_53, %dot_general3A_54 {dimension_numbers = #tpu.dot_dimension_numbers<[1], [0], [0], [1], [0, 0, 1, 1], [], []>, transpose_lhs_hint = false} : vector<8000x16xf32>, vector<16x64xf32>, vector<8000x64xf32> -> vector<8000x64xf32>
    %get3A_56 = arith.constant 0 : index
    %get3A_57 = arith.constant 0 : index
    %get3A_58 = vector.load %arg5[%get3A_56, %get3A_57] : memref<1x64xf32, #tpu.memory_space<vmem>>, vector<1x64xf32>
    %add3A_59 = vector.broadcast %get3A_58 : vector<1x64xf32> to vector<8000x64xf32>
    %add3A_60 = arith.addf %dot_general3A_55, %add3A_59 : vector<8000x64xf32>
    %get3A_61 = arith.constant 0 : index
    %get3A_62 = arith.constant 0 : index
    %get3A_63 = vector.load %arg4[%get3A_61, %get3A_62] : memref<16x64xf32, #tpu.memory_space<vmem>>, vector<16x64xf32>
    %dot_general3A_64 = arith.constant dense<0.000000e+00> : vector<8000x64xf32>
    %dot_general3A_65 = tpu.matmul %get3A_50, %get3A_63, %dot_general3A_64 {dimension_numbers = #tpu.dot_dimension_numbers<[1], [0], [0], [1], [0, 0, 1, 1], [], []>, transpose_lhs_hint = false} : vector<8000x16xf32>, vector<16x64xf32>, vector<8000x64xf32> -> vector<8000x64xf32>
    %get3A_66 = arith.constant 0 : index
    %get3A_67 = arith.constant 0 : index
    %get3A_68 = vector.load %arg6[%get3A_66, %get3A_67] : memref<1x64xf32, #tpu.memory_space<vmem>>, vector<1x64xf32>
    %add3A_69 = vector.broadcast %get3A_68 : vector<1x64xf32> to vector<8000x64xf32>
    %add3A_70 = arith.addf %dot_general3A_65, %add3A_69 : vector<8000x64xf32>
    %bitcast_convert_type3A_71 = tpu.bitcast %add3A_60 : vector<8000x64xf32> -> vector<8000x64xi32>
    %add3A_72 = arith.constant 32767 : i32
    %add3A_73 = vector.broadcast %add3A_72 : i32 to vector<8000x64xi32>
    %add3A_74 = arith.addi %bitcast_convert_type3A_71, %add3A_73 : vector<8000x64xi32>
    %shift_right_logical3A_75 = arith.constant 16 : i32
    %shift_right_logical3A_76 = vector.broadcast %shift_right_logical3A_75 : i32 to vector<8000x64xi32>
    %shift_right_logical3A_77 = arith.shrui %bitcast_convert_type3A_71, %shift_right_logical3A_76 : vector<8000x64xi32>
    %and3A_78 = arith.constant 1 : i32
    %and3A_79 = vector.broadcast %and3A_78 : i32 to vector<8000x64xi32>
    %and3A_80 = arith.andi %shift_right_logical3A_77, %and3A_79 : vector<8000x64xi32>
    %add3A_81 = arith.addi %add3A_74, %and3A_80 : vector<8000x64xi32>
    %shift_right_logical3A_82 = arith.constant 16 : i32
    %shift_right_logical3A_83 = vector.broadcast %shift_right_logical3A_82 : i32 to vector<8000x64xi32>
    %shift_right_logical3A_84 = arith.shrui %add3A_81, %shift_right_logical3A_83 : vector<8000x64xi32>
    %bitcast_convert_type3A_85 = tpu.bitcast %add3A_70 : vector<8000x64xf32> -> vector<8000x64xi32>
    %add3A_86 = arith.constant 32767 : i32
    %add3A_87 = vector.broadcast %add3A_86 : i32 to vector<8000x64xi32>
    %add3A_88 = arith.addi %bitcast_convert_type3A_85, %add3A_87 : vector<8000x64xi32>
    %shift_right_logical3A_89 = arith.constant 16 : i32
    %shift_right_logical3A_90 = vector.broadcast %shift_right_logical3A_89 : i32 to vector<8000x64xi32>
    %shift_right_logical3A_91 = arith.shrui %bitcast_convert_type3A_85, %shift_right_logical3A_90 : vector<8000x64xi32>
    %and3A_92 = arith.constant 1 : i32
    %and3A_93 = vector.broadcast %and3A_92 : i32 to vector<8000x64xi32>
    %and3A_94 = arith.andi %shift_right_logical3A_91, %and3A_93 : vector<8000x64xi32>
    %add3A_95 = arith.addi %add3A_88, %and3A_94 : vector<8000x64xi32>
    %shift_right_logical3A_96 = arith.constant 16 : i32
    %shift_right_logical3A_97 = vector.broadcast %shift_right_logical3A_96 : i32 to vector<8000x64xi32>
    %shift_right_logical3A_98 = arith.shrui %add3A_95, %shift_right_logical3A_97 : vector<8000x64xi32>
    %shift_left3A_99 = arith.constant 16 : i32
    %shift_left3A_100 = vector.broadcast %shift_left3A_99 : i32 to vector<8000x64xi32>
    %shift_left3A_101 = arith.shli %shift_right_logical3A_98, %shift_left3A_100 : vector<8000x64xi32>
    %or3A_102 = arith.ori %shift_right_logical3A_84, %shift_left3A_101 : vector<8000x64xi32>
    %bitcast_convert_type3A_103 = tpu.bitcast %or3A_102 : vector<8000x64xi32> -> vector<8000x64xi32>
    %concatenate3A = tpu.concatenate %bitcast_convert_type3A_47, %bitcast_convert_type3A_103 in 1 : vector<8000x64xi32>, vector<8000x64xi32> -> vector<8000x128xi32>
    %swap3A = arith.constant 0 : index
    %swap3A_104 = arith.constant 0 : index
    %swap3A_105 = vector.load %arg7[%swap3A, %swap3A_104] : memref<8000x128xi32, #tpu.memory_space<vmem>>, vector<8000x128xi32>
    tpu.vector_store %arg7[%swap3A, %swap3A_104], %concatenate3A {strides = array<i32>} : memref<8000x128xi32, #tpu.memory_space<vmem>>, vector<8000x128xi32>,
    return
  }
  func.func @transform_0(%arg0: i32) -> (i32, i32) {
    %c0_i32 = arith.constant 0 : i32
    %c0_i32_0 = arith.constant 0 : i32
    return %arg0, %c0_i32 : i32, i32
  }
  func.func @transform_1(%arg0: i32) -> (i32, i32) {
    %add3A = arith.constant 20 : i32
    %add3A_0 = arith.addi %arg0, %add3A : i32
    %c0_i32 = arith.constant 0 : i32
    %c0_i32_1 = arith.constant 0 : i32
    return %add3A_0, %c0_i32 : i32, i32
  }
  func.func @transform_2(%arg0: i32) -> (i32, i32) {
    %c0_i32 = arith.constant 0 : i32
    %c0_i32_0 = arith.constant 0 : i32
    %c0_i32_1 = arith.constant 0 : i32
    return %c0_i32, %c0_i32_0 : i32, i32
  }
  func.func @transform_3(%arg0: i32) -> (i32, i32) {
    %c0_i32 = arith.constant 0 : i32
    %c0_i32_0 = arith.constant 0 : i32
    %c0_i32_1 = arith.constant 0 : i32
    return %c0_i32, %c0_i32_0 : i32, i32
  }
  func.func @transform_4(%arg0: i32) -> (i32, i32) {
    %c0_i32 = arith.constant 0 : i32
    %c0_i32_0 = arith.constant 0 : i32
    %c0_i32_1 = arith.constant 0 : i32
    return %c0_i32, %c0_i32_0 : i32, i32
  }
  func.func @transform_5(%arg0: i32) -> (i32, i32) {
    %c0_i32 = arith.constant 0 : i32
    %c0_i32_0 = arith.constant 0 : i32
    %c0_i32_1 = arith.constant 0 : i32
    return %c0_i32, %c0_i32_0 : i32, i32
  }
  func.func @transform_6(%arg0: i32) -> (i32, i32) {
    %c0_i32 = arith.constant 0 : i32
    %c0_i32_0 = arith.constant 0 : i32
    return %arg0, %c0_i32 : i32, i32
  }
}

module attributes {stable_mosaic.version = 14 : i64} {
  func.func @_mlp_body(%arg0: i32, %arg1: memref<2000x128xf32, #tpu.memory_space<vmem>>, %arg2: memref<1x2000x128xf32, #tpu.memory_space<vmem>>, %arg3: memref<1x2000x128xf32, #tpu.memory_space<vmem>>, %arg4: memref<128x256xf32, #tpu.memory_space<vmem>>, %arg5: memref<1x256xf32, #tpu.memory_space<vmem>>, %arg6: memref<256x256xf32, #tpu.memory_space<vmem>>, %arg7: memref<1x256xf32, #tpu.memory_space<vmem>>, %arg8: memref<256x128xf32, #tpu.memory_space<vmem>>, %arg9: memref<1x128xf32, #tpu.memory_space<vmem>>, %arg10: memref<128x1xf32, #tpu.memory_space<vmem>>, %arg11: memref<1x1xf32, #tpu.memory_space<vmem>>, %arg12: memref<2000x256xf32, #tpu.memory_space<vmem>>, %arg13: memref<2000x1xf32, #tpu.memory_space<vmem>>) attributes {dimension_semantics = [#tpu.dimension_semantics<arbitrary>], iteration_bounds = array<i64: 5>, scalar_prefetch = 0 : i64, scratch_operands = 0 : i64, tpu.core_type = #tpu.core_type<tc>, window_params = [{transform_indices = @transform_0, window_bounds = array<i64: 2000, 128>}, {transform_indices = @transform_1, window_bounds = array<i64: 1, 2000, 128>}, {transform_indices = @transform_2, window_bounds = array<i64: 1, 2000, 128>}, {pipeline_mode = #tpu.pipeline_mode<synchronous>, transform_indices = @transform_3, window_bounds = array<i64: 128, 256>}, {pipeline_mode = #tpu.pipeline_mode<synchronous>, transform_indices = @transform_4, window_bounds = array<i64: 1, 256>}, {pipeline_mode = #tpu.pipeline_mode<synchronous>, transform_indices = @transform_5, window_bounds = array<i64: 256, 256>}, {pipeline_mode = #tpu.pipeline_mode<synchronous>, transform_indices = @transform_6, window_bounds = array<i64: 1, 256>}, {pipeline_mode = #tpu.pipeline_mode<synchronous>, transform_indices = @transform_7, window_bounds = array<i64: 256, 128>}, {pipeline_mode = #tpu.pipeline_mode<synchronous>, transform_indices = @transform_8, window_bounds = array<i64: 1, 128>}, {pipeline_mode = #tpu.pipeline_mode<synchronous>, transform_indices = @transform_9, window_bounds = array<i64: 128, 1>}, {pipeline_mode = #tpu.pipeline_mode<synchronous>, transform_indices = @transform_10, window_bounds = array<i64: 1, 1>}, {transform_indices = @transform_11, window_bounds = array<i64: 2000, 256>}, {transform_indices = @transform_12, window_bounds = array<i64: 2000, 1>}]} {
    %get3A = arith.constant 0 : index
    %get3A_0 = arith.constant 0 : index
    %get3A_1 = vector.load %arg1[%get3A, %get3A_0] : memref<2000x128xf32, #tpu.memory_space<vmem>>, vector<2000x128xf32>
    %get3A_2 = arith.constant 0 : index
    %get3A_3 = arith.constant 0 : index
    %get3A_4 = arith.constant 0 : index
    %get3A_5 = vector.load %arg2[%get3A_2, %get3A_3, %get3A_4] : memref<1x2000x128xf32, #tpu.memory_space<vmem>>, vector<1x2000x128xf32>
    %get3A_6 = vector.shape_cast %get3A_5 : vector<1x2000x128xf32> to vector<2000x128xf32>
    %add3A = arith.addf %get3A_1, %get3A_6 : vector<2000x128xf32>
    %get3A_7 = arith.constant 0 : index
    %get3A_8 = arith.constant 0 : index
    %get3A_9 = arith.constant 0 : index
    %get3A_10 = vector.load %arg3[%get3A_7, %get3A_8, %get3A_9] : memref<1x2000x128xf32, #tpu.memory_space<vmem>>, vector<1x2000x128xf32>
    %get3A_11 = vector.shape_cast %get3A_10 : vector<1x2000x128xf32> to vector<2000x128xf32>
    %add3A_12 = arith.addf %add3A, %get3A_11 : vector<2000x128xf32>
    %get3A_13 = arith.constant 0 : index
    %get3A_14 = arith.constant 0 : index
    %get3A_15 = vector.load %arg4[%get3A_13, %get3A_14] : memref<128x256xf32, #tpu.memory_space<vmem>>, vector<128x256xf32>
    %dot_general3A = arith.constant dense<0.000000e+00> : vector<2000x256xf32>
    %dot_general3A_16 = tpu.matmul %add3A_12, %get3A_15, %dot_general3A {dimension_numbers = #tpu.dot_dimension_numbers<[1], [0], [0], [1], [0, 0, 1, 1], [], []>, transpose_lhs_hint = false} : vector<2000x128xf32>, vector<128x256xf32>, vector<2000x256xf32> -> vector<2000x256xf32>
    %get3A_17 = arith.constant 0 : index
    %get3A_18 = arith.constant 0 : index
    %get3A_19 = vector.load %arg5[%get3A_17, %get3A_18] : memref<1x256xf32, #tpu.memory_space<vmem>>, vector<1x256xf32>
    %add3A_20 = vector.broadcast %get3A_19 : vector<1x256xf32> to vector<2000x256xf32>
    %add3A_21 = arith.addf %dot_general3A_16, %add3A_20 : vector<2000x256xf32>
    %max3A = arith.constant 0.000000e+00 : f32
    %max3A_22 = vector.broadcast %max3A : f32 to vector<2000x256xf32>
    %max3A_23 = arith.maximumf %add3A_21, %max3A_22 : vector<2000x256xf32>
    %get3A_24 = arith.constant 0 : index
    %get3A_25 = arith.constant 0 : index
    %get3A_26 = vector.load %arg6[%get3A_24, %get3A_25] : memref<256x256xf32, #tpu.memory_space<vmem>>, vector<256x256xf32>
    %dot_general3A_27 = arith.constant dense<0.000000e+00> : vector<2000x256xf32>
    %dot_general3A_28 = tpu.matmul %max3A_23, %get3A_26, %dot_general3A_27 {dimension_numbers = #tpu.dot_dimension_numbers<[1], [0], [0], [1], [0, 0, 1, 1], [], []>, transpose_lhs_hint = false} : vector<2000x256xf32>, vector<256x256xf32>, vector<2000x256xf32> -> vector<2000x256xf32>
    %get3A_29 = arith.constant 0 : index
    %get3A_30 = arith.constant 0 : index
    %get3A_31 = vector.load %arg7[%get3A_29, %get3A_30] : memref<1x256xf32, #tpu.memory_space<vmem>>, vector<1x256xf32>
    %add3A_32 = vector.broadcast %get3A_31 : vector<1x256xf32> to vector<2000x256xf32>
    %add3A_33 = arith.addf %dot_general3A_28, %add3A_32 : vector<2000x256xf32>
    %swap3A = arith.constant 0 : index
    %swap3A_34 = arith.constant 0 : index
    %swap3A_35 = vector.load %arg12[%swap3A, %swap3A_34] : memref<2000x256xf32, #tpu.memory_space<vmem>>, vector<2000x256xf32>
    tpu.vector_store %arg12[%swap3A, %swap3A_34], %add3A_33 {strides = array<i32>} : memref<2000x256xf32, #tpu.memory_space<vmem>>, vector<2000x256xf32>,
    %get3A_36 = arith.constant 0 : index
    %get3A_37 = arith.constant 0 : index
    %get3A_38 = vector.load %arg8[%get3A_36, %get3A_37] : memref<256x128xf32, #tpu.memory_space<vmem>>, vector<256x128xf32>
    %dot_general3A_39 = arith.constant dense<0.000000e+00> : vector<2000x128xf32>
    %dot_general3A_40 = tpu.matmul %add3A_33, %get3A_38, %dot_general3A_39 {dimension_numbers = #tpu.dot_dimension_numbers<[1], [0], [0], [1], [0, 0, 1, 1], [], []>, transpose_lhs_hint = false} : vector<2000x256xf32>, vector<256x128xf32>, vector<2000x128xf32> -> vector<2000x128xf32>
    %get3A_41 = arith.constant 0 : index
    %get3A_42 = arith.constant 0 : index
    %get3A_43 = vector.load %arg9[%get3A_41, %get3A_42] : memref<1x128xf32, #tpu.memory_space<vmem>>, vector<1x128xf32>
    %add3A_44 = vector.broadcast %get3A_43 : vector<1x128xf32> to vector<2000x128xf32>
    %add3A_45 = arith.addf %dot_general3A_40, %add3A_44 : vector<2000x128xf32>
    %max3A_46 = arith.constant 0.000000e+00 : f32
    %max3A_47 = vector.broadcast %max3A_46 : f32 to vector<2000x128xf32>
    %max3A_48 = arith.maximumf %add3A_45, %max3A_47 : vector<2000x128xf32>
    %get3A_49 = arith.constant 0 : index
    %get3A_50 = arith.constant 0 : index
    %get3A_51 = vector.load %arg10[%get3A_49, %get3A_50] : memref<128x1xf32, #tpu.memory_space<vmem>>, vector<128x1xf32>
    %dot_general3A_52 = arith.constant dense<0.000000e+00> : vector<2000x1xf32>
    %dot_general3A_53 = tpu.matmul %max3A_48, %get3A_51, %dot_general3A_52 {dimension_numbers = #tpu.dot_dimension_numbers<[1], [0], [0], [1], [0, 0, 1, 1], [], []>, transpose_lhs_hint = false} : vector<2000x128xf32>, vector<128x1xf32>, vector<2000x1xf32> -> vector<2000x1xf32>
    %get3A_54 = arith.constant 0 : index
    %get3A_55 = arith.constant 0 : index
    %get3A_56 = vector.load %arg11[%get3A_54, %get3A_55] : memref<1x1xf32, #tpu.memory_space<vmem>>, vector<1x1xf32>
    %add3A_57 = vector.broadcast %get3A_56 : vector<1x1xf32> to vector<2000x1xf32>
    %add3A_58 = arith.addf %dot_general3A_53, %add3A_57 : vector<2000x1xf32>
    %swap3A_59 = arith.constant 0 : index
    %swap3A_60 = arith.constant 0 : index
    %swap3A_61 = vector.load %arg13[%swap3A_59, %swap3A_60] : memref<2000x1xf32, #tpu.memory_space<vmem>>, vector<2000x1xf32>
    tpu.vector_store %arg13[%swap3A_59, %swap3A_60], %add3A_58 {strides = array<i32>} : memref<2000x1xf32, #tpu.memory_space<vmem>>, vector<2000x1xf32>,
    return
  }
  func.func @transform_0(%arg0: i32) -> (i32, i32) {
    %c0_i32 = arith.constant 0 : i32
    %c0_i32_0 = arith.constant 0 : i32
    return %arg0, %c0_i32 : i32, i32
  }
  func.func @transform_1(%arg0: i32) -> (i32, i32, i32) {
    %c0_i32 = arith.constant 0 : i32
    %c0_i32_0 = arith.constant 0 : i32
    %c0_i32_1 = arith.constant 0 : i32
    return %c0_i32, %arg0, %c0_i32_0 : i32, i32, i32
  }
  func.func @transform_2(%arg0: i32) -> (i32, i32, i32) {
    %c1_i32 = arith.constant 1 : i32
    %c0_i32 = arith.constant 0 : i32
    %c0_i32_0 = arith.constant 0 : i32
    return %c1_i32, %arg0, %c0_i32 : i32, i32, i32
  }
  func.func @transform_3(%arg0: i32) -> (i32, i32) {
    %c0_i32 = arith.constant 0 : i32
    %c0_i32_0 = arith.constant 0 : i32
    %c0_i32_1 = arith.constant 0 : i32
    return %c0_i32, %c0_i32_0 : i32, i32
  }
  func.func @transform_4(%arg0: i32) -> (i32, i32) {
    %c0_i32 = arith.constant 0 : i32
    %c0_i32_0 = arith.constant 0 : i32
    %c0_i32_1 = arith.constant 0 : i32
    return %c0_i32, %c0_i32_0 : i32, i32
  }
  func.func @transform_5(%arg0: i32) -> (i32, i32) {
    %c0_i32 = arith.constant 0 : i32
    %c0_i32_0 = arith.constant 0 : i32
    %c0_i32_1 = arith.constant 0 : i32
    return %c0_i32, %c0_i32_0 : i32, i32
  }
  func.func @transform_6(%arg0: i32) -> (i32, i32) {
    %c0_i32 = arith.constant 0 : i32
    %c0_i32_0 = arith.constant 0 : i32
    %c0_i32_1 = arith.constant 0 : i32
    return %c0_i32, %c0_i32_0 : i32, i32
  }
  func.func @transform_7(%arg0: i32) -> (i32, i32) {
    %c0_i32 = arith.constant 0 : i32
    %c0_i32_0 = arith.constant 0 : i32
    %c0_i32_1 = arith.constant 0 : i32
    return %c0_i32, %c0_i32_0 : i32, i32
  }
  func.func @transform_8(%arg0: i32) -> (i32, i32) {
    %c0_i32 = arith.constant 0 : i32
    %c0_i32_0 = arith.constant 0 : i32
    %c0_i32_1 = arith.constant 0 : i32
    return %c0_i32, %c0_i32_0 : i32, i32
  }
  func.func @transform_9(%arg0: i32) -> (i32, i32) {
    %c0_i32 = arith.constant 0 : i32
    %c0_i32_0 = arith.constant 0 : i32
    %c0_i32_1 = arith.constant 0 : i32
    return %c0_i32, %c0_i32_0 : i32, i32
  }
  func.func @transform_10(%arg0: i32) -> (i32, i32) {
    %c0_i32 = arith.constant 0 : i32
    %c0_i32_0 = arith.constant 0 : i32
    %c0_i32_1 = arith.constant 0 : i32
    return %c0_i32, %c0_i32_0 : i32, i32
  }
  func.func @transform_11(%arg0: i32) -> (i32, i32) {
    %c0_i32 = arith.constant 0 : i32
    %c0_i32_0 = arith.constant 0 : i32
    return %arg0, %c0_i32 : i32, i32
  }
  func.func @transform_12(%arg0: i32) -> (i32, i32) {
    %c0_i32 = arith.constant 0 : i32
    %c0_i32_0 = arith.constant 0 : i32
    return %arg0, %c0_i32 : i32, i32
  }
}

module attributes {stable_mosaic.version = 14 : i64} {
  func.func @_pool_body(%arg0: memref<10000x256xf32, #tpu.memory_space<vmem>>, %arg1: memref<10000x1xf32, #tpu.memory_space<vmem>>, %arg2: memref<10000x1xi32, #tpu.memory_space<vmem>>, %arg3: memref<256x1000xf32, #tpu.memory_space<vmem>>, %arg4: memref<1x1000xf32, #tpu.memory_space<vmem>>, %arg5: memref<64x1000xf32, #tpu.memory_space<vmem>>, %arg6: memref<64x256xf32, #tpu.memory_space<vmem>>) attributes {dimension_semantics = [], scalar_prefetch = 0 : i64, scratch_operands = 0 : i64, tpu.core_type = #tpu.core_type<tc>} {
    %get3A = arith.constant 0 : index
    %get3A_0 = arith.constant 0 : index
    %get3A_1 = vector.load %arg1[%get3A, %get3A_0] : memref<10000x1xf32, #tpu.memory_space<vmem>>, vector<10000x1xf32>
    %get3A_2 = arith.constant 0 : index
    %get3A_3 = arith.constant 0 : index
    %get3A_4 = vector.load %arg2[%get3A_2, %get3A_3] : memref<10000x1xi32, #tpu.memory_space<vmem>>, vector<10000x1xi32>
    %iota3A = tpu.iota {dimensions = array<i32: 1>} : vector<10000x64xi32>
    %eq3A = vector.broadcast %get3A_4 : vector<10000x1xi32> to vector<10000x64xi32>
    %eq3A_5 = arith.cmpi eq, %eq3A, %iota3A : vector<10000x64xi32>
    %jit3A = arith.constant 0xFF800000 : f32
    %broadcast_in_dim3A = vector.shape_cast %get3A_1 : vector<10000x1xf32> to vector<10000x1xf32>
    %broadcast_in_dim3A_6 = vector.broadcast %broadcast_in_dim3A : vector<10000x1xf32> to vector<10000x64xf32>
    %broadcast_in_dim3A_7 = vector.broadcast %jit3A : f32 to vector<10000x64xf32>
    %select_n3A = arith.select %eq3A_5, %broadcast_in_dim3A_6, %broadcast_in_dim3A_7 : vector<10000x64xi1>, vector<10000x64xf32>
    %reduce_max3A = arith.constant dense<0xFF800000> : vector<64xf32>
    %reduce_max3A_8 = vector.multi_reduction <maximumf>, %select_n3A, %reduce_max3A [0] : vector<10000x64xf32> to vector<64xf32>
    %broadcast_in_dim3A_9 = vector.shape_cast %reduce_max3A_8 : vector<64xf32> to vector<1x64xf32>
    %gt3A = arith.constant -3.000000e+38 : f32
    %gt3A_10 = vector.broadcast %gt3A : f32 to vector<1x64xf32>
    %gt3A_11 = arith.cmpf ogt, %broadcast_in_dim3A_9, %gt3A_10 : vector<1x64xf32>
    %jit3A_12 = arith.constant 0.000000e+00 : f32
    %broadcast_in_dim3A_13 = vector.broadcast %jit3A_12 : f32 to vector<1x64xf32>
    %select_n3A_14 = arith.select %gt3A_11, %broadcast_in_dim3A_9, %broadcast_in_dim3A_13 : vector<1x64xi1>, vector<1x64xf32>
    %jit3A_15 = arith.constant 0.000000e+00 : f32
    %broadcast_in_dim3A_16 = vector.shape_cast %select_n3A_14 : vector<1x64xf32> to vector<1x64xf32>
    %broadcast_in_dim3A_17 = vector.broadcast %broadcast_in_dim3A_16 : vector<1x64xf32> to vector<10000x64xf32>
    %broadcast_in_dim3A_18 = vector.broadcast %jit3A_15 : f32 to vector<10000x64xf32>
    %select_n3A_19 = arith.select %eq3A_5, %broadcast_in_dim3A_17, %broadcast_in_dim3A_18 : vector<10000x64xi1>, vector<10000x64xf32>
    %reduce_sum3A = arith.constant dense<0.000000e+00> : vector<10000xf32>
    %reduce_sum3A_20 = vector.multi_reduction <add>, %select_n3A_19, %reduce_sum3A [1] : vector<10000x64xf32> to vector<10000xf32>
    %broadcast_in_dim3A_21 = vector.shape_cast %reduce_sum3A_20 : vector<10000xf32> to vector<10000x1xf32>
    %sub3A = arith.subf %get3A_1, %broadcast_in_dim3A_21 : vector<10000x1xf32>
    %exp3A = math.exp %sub3A : vector<10000x1xf32>
    %jit3A_22 = arith.constant 0.000000e+00 : f32
    %broadcast_in_dim3A_23 = vector.shape_cast %exp3A : vector<10000x1xf32> to vector<10000x1xf32>
    %broadcast_in_dim3A_24 = vector.broadcast %broadcast_in_dim3A_23 : vector<10000x1xf32> to vector<10000x64xf32>
    %broadcast_in_dim3A_25 = vector.broadcast %jit3A_22 : f32 to vector<10000x64xf32>
    %select_n3A_26 = arith.select %eq3A_5, %broadcast_in_dim3A_24, %broadcast_in_dim3A_25 : vector<10000x64xi1>, vector<10000x64xf32>
    %reduce_sum3A_27 = arith.constant dense<0.000000e+00> : vector<64xf32>
    %reduce_sum3A_28 = vector.multi_reduction <add>, %select_n3A_26, %reduce_sum3A_27 [0] : vector<10000x64xf32> to vector<64xf32>
    %broadcast_in_dim3A_29 = vector.shape_cast %reduce_sum3A_28 : vector<64xf32> to vector<1x64xf32>
    %jit3A_30 = arith.constant 0.000000e+00 : f32
    %broadcast_in_dim3A_31 = vector.shape_cast %broadcast_in_dim3A_29 : vector<1x64xf32> to vector<1x64xf32>
    %broadcast_in_dim3A_32 = vector.broadcast %broadcast_in_dim3A_31 : vector<1x64xf32> to vector<10000x64xf32>
    %broadcast_in_dim3A_33 = vector.broadcast %jit3A_30 : f32 to vector<10000x64xf32>
    %select_n3A_34 = arith.select %eq3A_5, %broadcast_in_dim3A_32, %broadcast_in_dim3A_33 : vector<10000x64xi1>, vector<10000x64xf32>
    %reduce_sum3A_35 = arith.constant dense<0.000000e+00> : vector<10000xf32>
    %reduce_sum3A_36 = vector.multi_reduction <add>, %select_n3A_34, %reduce_sum3A_35 [1] : vector<10000x64xf32> to vector<10000xf32>
    %broadcast_in_dim3A_37 = vector.shape_cast %reduce_sum3A_36 : vector<10000xf32> to vector<10000x1xf32>
    %add3A = arith.constant 1.000000e-16 : f32
    %add3A_38 = vector.broadcast %add3A : f32 to vector<10000x1xf32>
    %add3A_39 = arith.addf %broadcast_in_dim3A_37, %add3A_38 : vector<10000x1xf32>
    %div3A = arith.divf %exp3A, %add3A_39 : vector<10000x1xf32>
    %jit3A_40 = arith.constant 0.000000e+00 : f32
    %broadcast_in_dim3A_41 = vector.shape_cast %div3A : vector<10000x1xf32> to vector<10000x1xf32>
    %broadcast_in_dim3A_42 = vector.broadcast %broadcast_in_dim3A_41 : vector<10000x1xf32> to vector<10000x64xf32>
    %broadcast_in_dim3A_43 = vector.broadcast %jit3A_40 : f32 to vector<10000x64xf32>
    %select_n3A_44 = arith.select %eq3A_5, %broadcast_in_dim3A_42, %broadcast_in_dim3A_43 : vector<10000x64xi1>, vector<10000x64xf32>
    %get3A_45 = arith.constant 0 : index
    %get3A_46 = arith.constant 0 : index
    %get3A_47 = vector.load %arg0[%get3A_45, %get3A_46] : memref<10000x256xf32, #tpu.memory_space<vmem>>, vector<10000x256xf32>
    %dot_general3A = arith.constant dense<0.000000e+00> : vector<64x256xf32>
    %dot_general3A_48 = tpu.matmul %select_n3A_44, %get3A_47, %dot_general3A {dimension_numbers = #tpu.dot_dimension_numbers<[0], [0], [1], [1], [0, 1, 1, 1], [], []>, transpose_lhs_hint = false} : vector<10000x64xf32>, vector<10000x256xf32>, vector<64x256xf32> -> vector<64x256xf32>
    %swap3A = arith.constant 0 : index
    %swap3A_49 = arith.constant 0 : index
    %swap3A_50 = vector.load %arg6[%swap3A, %swap3A_49] : memref<64x256xf32, #tpu.memory_space<vmem>>, vector<64x256xf32>
    tpu.vector_store %arg6[%swap3A, %swap3A_49], %dot_general3A_48 {strides = array<i32>} : memref<64x256xf32, #tpu.memory_space<vmem>>, vector<64x256xf32>,
    %get3A_51 = arith.constant 0 : index
    %get3A_52 = arith.constant 0 : index
    %get3A_53 = vector.load %arg3[%get3A_51, %get3A_52] : memref<256x1000xf32, #tpu.memory_space<vmem>>, vector<256x1000xf32>
    %dot_general3A_54 = arith.constant dense<0.000000e+00> : vector<64x1000xf32>
    %dot_general3A_55 = tpu.matmul %dot_general3A_48, %get3A_53, %dot_general3A_54 {dimension_numbers = #tpu.dot_dimension_numbers<[1], [0], [0], [1], [0, 0, 1, 1], [], []>, transpose_lhs_hint = false} : vector<64x256xf32>, vector<256x1000xf32>, vector<64x1000xf32> -> vector<64x1000xf32>
    %get3A_56 = arith.constant 0 : index
    %get3A_57 = arith.constant 0 : index
    %get3A_58 = vector.load %arg4[%get3A_56, %get3A_57] : memref<1x1000xf32, #tpu.memory_space<vmem>>, vector<1x1000xf32>
    %add3A_59 = vector.broadcast %get3A_58 : vector<1x1000xf32> to vector<64x1000xf32>
    %add3A_60 = arith.addf %dot_general3A_55, %add3A_59 : vector<64x1000xf32>
    %swap3A_61 = arith.constant 0 : index
    %swap3A_62 = arith.constant 0 : index
    %swap3A_63 = vector.load %arg5[%swap3A_61, %swap3A_62] : memref<64x1000xf32, #tpu.memory_space<vmem>>, vector<64x1000xf32>
    tpu.vector_store %arg5[%swap3A_61, %swap3A_62], %add3A_60 {strides = array<i32>} : memref<64x1000xf32, #tpu.memory_space<vmem>>, vector<64x1000xf32>,
    return
  }
}

</mosaic_0001>

<sc_bundles>
// kernel: kernel.6.cloned.1.call-start
scs
__scs_entry_jumppad:
0x0: {  	(pc) =	sbr.rel $0x88, $3  }
0x1: {  	(tag) =	ssettag $0x0;
	lr =	simm.s32 $0x1  }
0x2: {  	[smem:$0x3F91] =	sst lr;
	_ =	strace $0xD0000000  }
0x3: {  	_ = 	snop  }
0x4: {  	_ = 	snop  }
0x5: {  	_ = 	snop  }
0x6: {  	_ = 	snop  }
0x7: {  	_ = 	snop  }
__scs_overlays_trampoline_lowered:
0x8: {  	[smem:$0x3FA0] =	sst s0  }
0x9: {  	[smem:$0x3FA1] =	sst s1  }
0xa: {  	[smem:$0x3FA2] =	sst s2  }
0xb: {  	[smem:$0x3FA3] =	sst s3  }
0xc: {  	[smem:$0x3FA4] =	sst s4  }
0xd: {  	[smem:$0x3FA5] =	sst s5  }
0xe: {  	[smem:$0x3FA6] =	sst s6  }
0xf: {  	[smem:$0x3FA7] =	sst s7  }
0x10: {  	[smem:$0x3FA8] =	sst s8  }
0x11: {  	[smem:$0x3FA9] =	sst s9;
	s0 =	simm.s32 @!p0 $0x0  }
0x12: {  	s1 =	sld [smem:$0x3F8F];
	s0 =	simm.s32 @p0 $0x1  }
0x13: {  	[smem:$0x3FAA] =	sst s0;
	s0 =	simm.s32 @!p1 $0x0  }
0x14: {  	s2 =	sld [smem:$0x3F8E];
	s0 =	simm.s32 @p1 $0x1  }
0x15: {  	[smem:$0x3FAB] =	sst s0;
	s0 =	simm.s32 @!p2 $0x0  }
0x16: {  	s3 =	sld [smem:$0x3FDB];
	s0 =	simm.s32 @p2 $0x1  }
0x17: {  	s4 =	simm.s32 $0x1BF5;
	[smem:$0x3FAD] =	sst s0  }
0x18: {  	s0 =	sld [smem:$0x3F90];
	_ =	swait.ge [sflag:s4], $0x0  }
0x19: {  	s7 =	sld [smem:$0x3F91]  }
0x1a: {  	s8 =	sadd.s32 $0xFFFFE003, lr  }
0x1b: {  	s9 =	sadd.s32 $0xFFFFFEF7, lr;
	s5 =	simm.s32 $0xFFFFFFFF;
	p2 =	slt.u32 s8, $0xFFFFF086  }
0x1c: {  	p1 =	slt.u32 s9, $0xF7A;
	s5 =	simm.s32 @!p2 $0x0  }
0x1d: {  	s5 =	simm.s32 @p1 $0x1;
	p0 =	seq.s32 s7, s2  }
0x1e: {  	s7 =	smul.u32 @!p0 $0xF7A, s2;
	p2 =	seq.s32 @!p0 s5, $0x0  }
0x1f: {  	s9 =	smul.u32 $0xF7A, s1;
	s8 =	simm.s32 @!p0 $0x1BF5;
	p2 =	por !p2, p0  }
0x20: {  	[sflag:s8] =	ssyncset.s32 @!p0 $0xFFFFF086;
	s6 =	sadd.s32 @!p0 s3, s7;
	s7 =	simm.s32 @!p0 $0x108  }
0x21: {  	s3 =	sadd.s32 s3, s9;
	s6 =	sadd.s32 @!p0 $0x88, s6;
	s7 =	simm.s32 @p2 $0x1082  }
0x22: {  	[simem:s7], [sflag:s8] =	dma.local @!p0 [hbm:s6], $0xF7A  }
0x23: {  	s9 =	sor.u32 $0xD0000000, s2;
	s6 =	simm.s32 $0x108;
	_ =	swait.ge @!p0 [sflag:s8], $0x0  }
0x24: {  	s3 =	sadd.s32 $0x88, s3;
	s6 =	simm.s32 @!p1 $0x1082;
	[sflag:s4] =	ssyncset.s32 $0xFFFFF086  }
0x25: {  	[simem:s6], [sflag:s4] =	dma.local [hbm:s3], $0xF7A  }
0x26: {  	[smem:$0x3F91] =	sst s1;
	(tag) =	ssettag s2;
	_ =	strace s9  }
0x27: {  	s1 =	sld [smem:$0x3FA1]  }
0x28: {  	s2 =	sld [smem:$0x3FA2]  }
0x29: {  	s4 =	sld [smem:$0x3FA4]  }
0x2a: {  	p0 =	seq.s32 s5, $0x0;
	s5 =	sld [smem:$0x3FA5]  }
0x2b: {  	s6 =	sld [smem:$0x3FA6]  }
0x2c: {  	s7 =	sld [smem:$0x3FA7]  }
0x2d: {  	s3 =	simm.s32 $0x108;
	s8 =	sld [smem:$0x3FA8]  }
0x2e: {  	s3 =	simm.s32 @!p0 $0x1082;
	s9 =	sld [smem:$0x3FA9]  }
0x2f: {  	lr =	sadd.s32 s0, s3;
	s0 =	sld [smem:$0x3FA0]  }
0x30: {  	s3 =	sld [smem:$0x3FA3]  }
0x31: {  	[smem:$0x3FAC] =	sst s10  }
0x32: {  	s10 =	sld [smem:$0x3FAA];
	_ =	sdelay $0x3  }
0x33: {  	p0 =	seq.s32 s10, $0x1;
	s10 =	sld [smem:$0x3FAC];
	_ =	sdelay $0x3  }
0x34: {  	[smem:$0x3FAC] =	sst s10  }
0x35: {  	s10 =	sld [smem:$0x3FAB];
	_ =	sdelay $0x3  }
0x36: {  	p1 =	seq.s32 s10, $0x1;
	s10 =	sld [smem:$0x3FAC];
	_ =	sdelay $0x3  }
0x37: {  	[smem:$0x3FAC] =	sst s10  }
0x38: {  	s10 =	sld [smem:$0x3FAD]  }
0x39: {  	_ = 	snop;
	(pc) =	sbr.ind lr, $3  }
0x3a: {  	_ = 	snop  }
0x3b: {  	_ = 	snop  }
0x3c: {  	p2 =	seq.s32 s10, $0x1;
	s10 =	sld [smem:$0x3FAC]  }
0x3d: {  	_ =	shalt  }
0x3e: {  	_ =	shalt  }
0x3f: {  	_ =	shalt  }
0x40: {  	_ =	shalt  }
0x41: {  	_ =	shalt  }
0x42: {  	_ =	shalt  }
0x43: {  	_ =	shalt  }
0x44: {  	_ =	shalt  }
0x45: {  	_ =	shalt  }
0x46: {  	_ =	shalt  }
0x47: {  	_ =	shalt  }
0x48: {  	_ =	shalt  }
0x49: {  	_ =	shalt  }
0x4a: {  	_ =	shalt  }
0x4b: {  	_ =	shalt  }
0x4c: {  	_ =	shalt  }
0x4d: {  	_ =	shalt  }
0x4e: {  	_ =	shalt  }
0x4f: {  	_ =	shalt  }
0x50: {  	_ =	shalt  }
0x51: {  	_ =	shalt  }
0x52: {  	_ =	shalt  }
0x53: {  	_ =	shalt  }
0x54: {  	_ =	shalt  }
0x55: {  	_ =	shalt  }
0x56: {  	_ =	shalt  }
0x57: {  	_ =	shalt  }
0x58: {  	_ =	shalt  }
0x59: {  	_ =	shalt  }
0x5a: {  	_ =	shalt  }
0x5b: {  	_ =	shalt  }
0x5c: {  	_ =	shalt  }
0x5d: {  	_ =	shalt  }
0x5e: {  	_ =	shalt  }
0x5f: {  	_ =	shalt  }
0x60: {  	_ =	shalt  }
0x61: {  	_ =	shalt  }
0x62: {  	_ =	shalt  }
0x63: {  	_ =	shalt  }
0x64: {  	_ =	shalt  }
0x65: {  	_ =	shalt  }
0x66: {  	_ =	shalt  }
0x67: {  	_ =	shalt  }
0x68: {  	_ =	shalt  }
0x69: {  	_ =	shalt  }
0x6a: {  	_ =	shalt  }
0x6b: {  	_ =	shalt  }
0x6c: {  	_ =	shalt  }
0x6d: {  	_ =	shalt  }
0x6e: {  	_ =	shalt  }
0x6f: {  	_ =	shalt  }
0x70: {  	_ =	shalt  }
0x71: {  	_ =	shalt  }
0x72: {  	_ =	shalt  }
0x73: {  	_ =	shalt  }
0x74: {  	_ =	shalt  }
0x75: {  	_ =	shalt  }
0x76: {  	_ =	shalt  }
0x77: {  	_ =	shalt  }
0x78: {  	_ =	shalt  }
0x79: {  	_ =	shalt  }
0x7a: {  	_ =	shalt  }
0x7b: {  	_ =	shalt  }
0x7c: {  	_ =	shalt  }
0x7d: {  	_ =	shalt  }
0x7e: {  	_ =	shalt  }
0x7f: {  	_ =	shalt  }
0x80: {  	_ =	shalt  }
0x81: {  	_ =	shalt  }
0x82: {  	_ =	shalt  }
0x83: {  	_ =	shalt  }
0x84: {  	_ =	shalt  }
0x85: {  	_ =	shalt  }
0x86: {  	_ =	shalt  }
0x87: {  	_ =	shalt  }
.Lfunc_end0:
.L_simem_size_0:
called_computation_lowered:
.L_overlay_start_0:
0x88: {  	s2 =	sld [smem:$0x3FD9]  }
0x89: {  	s3 =	sld [smem:$0x3FFE];
	_ =	sdelay $0x1  }
0x8a: {  	s1 =	srdreg.scid  }
0x8b: {  	s0 =	sand.u32 $0x1, s1  }
0x8c: {  	s17 =	sshll.u32 s0, $0xA;
	s2 =	sadd.s32 s3, s2  }
0x8d: {  	s2 =	sadd.s32 s2, s17  }
0x8e: {  	[smem:$0x3FB8] =	sst s2  }
0x8f: {  	_ = 	snop  }
0x90: {  	s2 =	sld [smem:$0x3FC9];
	(tm) =	ssettm $0x1  }
0x91: {  	s18 =	sld [smem:$0x3FFB];
	_ =	sdelay $0x3  }
0x92: {  	_ =	strace s18  }
0x93: {  	s3 =	sld [smem:$0x3FFC];
	_ =	sdelay $0x3  }
0x94: {  	_ =	strace s3  }
0x95: {  	s3 =	sld [smem:$0x3FFD];
	_ =	sdelay $0x3  }
0x96: {  	_ =	strace s3  }
0x97: {  	_ =	strace $0x8FFFFFFF  }
0x98: {  	s19 =	sld [smem:$0x3FDB];
	_ =	sdelay $0x1  }
0x99: {  	s4 =	simm.s32 $_scs_section_size  }
0x9a: {  	s5 =	simm.s32 $_size__tile_overlayer_lowered;
	s6 =	simm.s32 $_tile_overlayer_lowered  }
0x9b: {  	s22 =	simm.s32 $0x1BFF;
	s21 =	sshll.u32 s6, $0x1;
	s3 =	sadd.s32 s4, s19  }
0x9c: {  	s7 =	simm.s32 $0x0;
	s20 =	sshll.u32 s5, $0x1;
	s5 =	sadd.s32 s21, s3  }
0x9d: {  	[timem:s7], [sflag:s22] =	dma.local [hbm:s5], s20  }
0x9e: {  	_ =	swait.ge [sflag:s22], s20  }
0x9f: {  	s4 =	ssub.s32 $0x0, s20;
	[sflag:s22] =	ssyncset.done $0x0  }
0xa0: {  	[sflag:s22] =	ssyncadd.s32 s4;
	_ =	sdelay $0x1  }
0xa1: {  	s23 =	simm.s32 $0x1B8B  }
0xa2: {  	_ =	swait.ge [sflag:s23], $0x1  }
0xa3: {  	[sflag:s23] =	ssyncset.done $0x0  }
0xa4: {  	s25 =	simm.s32 $0x1B8E;
	s24 =	sld [smem:$0x3FFE];
	[sflag:s23] =	ssyncadd.s32 $0xFFFFFFFF  }
0xa5: {  	s26 =	simm.s32 $execute0_lowered;
	[smem:$0x3FD2] =	sst s25  }
0xa6: {  	s5 =	sshll.u32 s26, $0x1;
	_ =	strace $0x80000046;
	[dreg:$0x1] =	wrdreg $0xFFFFFFFF  }
0xa7: {  	s28 =	simm.s32 $_size_execute0_lowered;
	s3 =	sadd.s32 s3, s5;
	[dreg:$0x0] =	wrdreg $0x0  }
0xa8: {  	s5 =	sshll.u32 s28, $0x1;
	[dreg:$0x2] =	wrdreg s3  }
0xa9: {  	[dreg:$0x3] =	wrdreg s5  }
0xaa: {  	[dreg:$0x4] =	wrdreg $0xC0  }
0xab: {  	_ =	task [dreg:s7], $0x5FFFF  }
0xac: {  	[dreg:$0x1] =	wrdreg $0xFFFFFFFF  }
0xad: {  	[dreg:$0x0] =	wrdreg $0x60  }
0xae: {  	[dreg:$0x2] =	wrdreg s24  }
0xaf: {  	[dreg:$0x3] =	wrdreg s2  }
0xb0: {  	[dreg:$0x4] =	wrdreg $0xA0800  }
0xb1: {  	[dreg:$0x5] =	wrdreg $0x9  }
0xb2: {  	_ =	task.clear_ibuf [dreg:s7], $0x6FFFF;
	_ =	strace $0x90000046  }
0xb3: {  	s29 =	simm.s32 $0x9;
	_ =	strace $0x80000048  }
0xb4: {  	_ =	swait.ge [sflag:s29], $0x1  }
0xb5: {  	[sflag:s29] =	ssyncadd.s32 $0xFFFFFFFF  }
0xb6: {  	_ =	strace $0x90000048  }
0xb7: {  	_ =	sfence  }
0xb8: {  	s30 =	sld [smem:$0x0];
	_ =	sdelay $0x2  }
0xb9: {  	s31 =	sshll.u32 s1, $0xD;
	s1 =	sshrl.u32 s1, $0x2  }
0xba: {  	s3 =	sand.u32 $0x4000, s31;
	s1 =	sadd.s32 s1, s30  }
0xbb: {  	s0 =	sor.u32 s3, s0;
	s1 =	sshll.u32 s1, $0x11  }
0xbc: {  	s0 =	sor.u32 s1, s0  }
0xbd: {  	s0 =	sadd.s32 $0x8F2B, s0  }
0xbe: {  	[sflag:s0] =	ssyncadd.remote.s32 $0x1  }
0xbf: {  	_ =	sfence.sel $0xFFFF  }
0xc0: {  	[dreg:$0x0] =	wrdreg $0xFFFFFFFF;
	(pc) =	sbr.abs _section_cstart, $3  }
0xc1: {  	[dreg:$0x1] =	wrdreg $0xFFFFFFFF  }
0xc2: {  	_ =	task.clear_ibuf [dreg:s7], $0x2FFFF;
	_ =	strace $0x9FFFFFFF  }
0xc3: {  	(tm) =	ssettm $0x7FFFFFFF  }
tec
execute0_lowered:
.L_overlay_start_1:
0x0: {  	(tag) =	ssettag $0x1  }
0x1: {  	s1 =	rddreg [dreg:$0x0]  }
0x2: {  	s0 =	srdreg.scid;
	s2 =	rddreg [dreg:$0x1]  }
0x3: {  	s15 =	stileid.u32;
	s3 =	rddreg [dreg:$0x2];
	s20 =	simm.s32 $0x50  }
0x4: {  	s28 =	simm.s32 $0x1;
	s29 =	simm.s32 $0x3;
	s30 =	simm.s32 $0x5  }
0x5: {  	s31 =	simm.s32 $0x7;
	s12 =	smul.u32 $0x2800, s15;
	s6 =	sadd.s32 $0x4ED800, s1  }
0x6: {  	s0 =	sand.u32 $0x1, s0;
	s11 =	smul.u32 $0x50000, s15;
	s7 =	sadd.s32 $0x4F7600, s1  }
0x7: {  	p0 =	seq.s32 s15, $0xF;
	s4 =	sshll.u32 s0, $0x4;
	s10 =	smul.u32 $0x27100, s0  }
0x8: {  	s0 =	ssub.s32 $0x2, s0;
	s5 =	sor.u32 s15, s4;
	s4 =	simm.s32 $0x0  }
0x9: {  	s13 =	sshrl.u32 s0, $0x1;
	s21 =	sshrl.u32 s11, $0x2;
	s8 =	smul.u32 $0x4E2, s5  }
0xa: {  	[smem:$0x7FF] =	sst s4;
	s14 =	sadd.s32 s10, s1;
	s0 =	ssub.s32 s0, s13  }
0xb: {  	s11 =	sadd.s32 s21, s3;
	s23 =	smul.u32 $0x13880, s5;
	s13 =	sadd.s32 $0x12C000, s3  }
0xc: {  	s10 =	smul.u32 $0x7D, s5;
	s21 =	simm.s32 $0x2880;
	_ =	strace $0x80000047  }
0xd: {  	[dreg:$0x4] =	wrdreg s12;
	s12 =	sadd.s32 s12, s1;
	s14 =	sadd.s32 $0x28C00, s14  }
0xe: {  	s0 =	smax.u32 s0, $0x1;
	s16 =	sshrl.u32 @p0 s13, $0x3;
	s18 =	sshrl.u32 @!p0 s11, $0x3  }
0xf: {  	s11 =	simm.s32 $0x0;
	s22 =	sadd.s32 $0x1A00, s12;
	[dreg:$0xa] =	wrdreg s0  }
0x10: {  	s9 =	sadd.s32 s8, s1;
	s1 =	sadd.s32 $0x27200, s1;
	[dreg:$0x5] =	wrdreg s22  }
0x11: {  	s25 =	sadd.s32 s7, s23;
	s26 =	sadd.s32 s6, s8;
	[dreg:$0x6] =	wrdreg s1  }
0x12: {  	s23 =	simm.s32 $0x2780;
	s0 =	simm.s32 $0x4;
	[dreg:$0x8] =	wrdreg s25  }
0x13: {  	s8 =	simm.s32 $0x6;
	s24 =	sadd.s32 $0x4E3A00, s9;
	[dreg:$0x9] =	wrdreg s26  }
0x14: {  	s1 =	sshll.u32 @!p0 s15, $0x6;
	s22 =	simm.s32 $0x7880;
	s25 =	simm.s32 $0x8C80  }
0x15: {  	s26 =	simm.s32 $0x2800;
	s9 =	simm.s32 $0x8;
	[dreg:$0x7] =	wrdreg s24  }
0x16: {  	s17 =	sor.u32 @!p0 $0x1C09, s1;
	s24 =	simm.s32 $0x5080;
	s1 =	simm.s32 $0x2  }
.LBB2_1:
0x17: {  	s5 =	simm.s32 @p0 $0x1FC9;
	s12 =	rddreg [dreg:$0x6]  }
0x18: {  	[spmem:s16], [sflag:s5] =	dma.local @p0 [hbm:s12], $0x1900  }
0x19: {  	s5 =	simm.s32 @p0 $0x9  }
0x1a: {  	_ =	swait.ge @p0 [sflag:s5], $0x1900  }
0x1b: {  	[sflag:s5] =	ssyncset.done @p0 $0x0  }
0x1c: {  	[sflag:s5] =	ssyncadd.s32 @p0 $0xFFFFE700;
	s5 =	rddreg [dreg:$0x5]  }
0x1d: {  	[spmem:s18], [sflag:s17] =	dma.local @!p0 [hbm:s5], $0x2800  }
0x1e: {  	s5 =	simm.s32 @!p0 $0x9  }
0x1f: {  	_ =	swait.ge @!p0 [sflag:s5], $0x2800  }
0x20: {  	[sflag:s5] =	ssyncset.done @!p0 $0x0  }
0x21: {  	s13 =	simm.s32 $0x9;
	s12 =	rddreg [dreg:$0x7];
	[sflag:s5] =	ssyncadd.s32 @!p0 $0xFFFFD800  }
0x22: {  	[tilespmem:s4], [sflag:$0x9] =	stream.linear.gather [hbm4b:s12+s4], $0x2710, $0x38;
	[tilespmem:$0x1D900] =	vst v63  }
0x23: {  	_ =	swait.ge [sflag:s13], $0x2710  }
0x24: {  	[sflag:s13] =	ssyncset.done $0x0  }
0x25: {  	[sflag:s13] =	ssyncadd.s32 $0xFFFFD8F0  }
0x26: {  	[bflag:$0x0] =	sbarrier.arrive $0xFFFF  }
0x27: {  	[tilespmem:s21], [sflag:$0x1] =	stream.indirect.gather [hbm4b:s2+s20], $0x80, s4, s20, $0xb8;
	[tilespmem:$0x1D900] =	vst v63  }
0x28: {  	s15 =	rddreg [dreg:$0x8]  }
0x29: {  	[tilespmem:s22], [sflag:$0x3] =	stream.linear.gather [hbm4b:s15+s4], $0x1400, $0x38;
	[tilespmem:$0x1D900] =	vst v63  }
0x2a: {  	s12 =	simm.s32 $0x0;
	s19 =	rddreg [dreg:$0x9]  }
0x2b: {  	[tilespmem:s23], [sflag:$0x5] =	stream.linear.gather [hbm4b:s19+s4], $0x50, $0x38;
	[tilespmem:$0x1D900] =	vst v63  }
.LBB2_2:
0x2c: {  	s13 =	sshll.u32 s12, $0x1;
	p1 =	seq.s32 s12, $0x0  }
0x2d: {  	s5 =	simm.s32 @!p1 $0x8;
	s15 =	sor.u32 $0x1, s13  }
0x2e: {  	_ =	swait.ge @!p1 [sflag:s5], $0x2800;
	s19 =	smul.u32 $0x140, s15  }
0x2f: {  	s15 =	sadd.s32 s10, s15;
	[sflag:s5] =	ssyncset.done @!p1 $0x0  }
0x30: {  	[sflag:s5] =	ssyncadd.s32 @!p1 $0xFFFFD800;
	s5 =	sshra.s32 s19, $0x2;
	s19 =	smul.u32 $0x280, s15  }
0x31: {  	[tilespmem:s24], [sflag:$0x2] =	stream.indirect.gather [hbm4b:s2+s20], $0x80, s5, s20, $0xb8;
	[tilespmem:$0x1D900] =	vst v63  }
0x32: {  	s15 =	smul.u32 $0xA, s15;
	s5 =	sadd.s32 s7, s19;
	s19 =	simm.s32 $0x0  }
0x33: {  	[tilespmem:s25], [sflag:$0x4] =	stream.linear.gather [hbm4b:s5+s19], $0x1400, $0x38;
	[tilespmem:$0x1D900] =	vst v63  }
0x34: {  	s15 =	sadd.s32 s6, s15  }
0x35: {  	[tilespmem:s26], [sflag:$0x6] =	stream.linear.gather [hbm4b:s15+s19], $0x50, $0x38;
	[tilespmem:$0x1D900] =	vst v63  }
0x36: {  	_ =	swait.ge [sflag:s28], $0x2800  }
0x37: {  	[sflag:s28] =	ssyncset.done $0x0  }
0x38: {  	[sflag:s28] =	ssyncadd.s32 $0xFFFFD800  }
0x39: {  	_ =	swait.ge [sflag:s29], $0x1400  }
0x3a: {  	[sflag:s29] =	ssyncset.done $0x0  }
0x3b: {  	[sflag:s29] =	ssyncadd.s32 $0xFFFFEC00  }
0x3c: {  	_ =	swait.ge [sflag:s30], $0x50  }
0x3d: {  	[sflag:s30] =	ssyncset.done $0x0  }
0x3e: {  	s5 =	simm.s32 $0x0;
	[sflag:s30] =	ssyncadd.s32 $0xFFFFFFB0  }
0x3f: {  	v3 =	vld [tilespmem:s5+$0x7880]  }
0x40: {  	v4 =	vld [tilespmem:s5+$0x7890]  }
0x41: {  	v5 =	vld [tilespmem:s5+$0x78A0]  }
0x42: {  	v7 =	vld [tilespmem:s5+$0x78B0]  }
0x43: {  	v6 =	vld [tilespmem:s5+$0x2880]  }
0x44: {  	v9 =	vld [tilespmem:s5+$0x78C0]  }
0x45: {  	v2 =	vld [tilespmem:s5+$0x78D0]  }
0x46: {  	v8 =	vld [tilespmem:s5+$0x2890]  }
0x47: {  	v10 =	vld [tilespmem:s5+$0x28A0];
	v12 =	vshll.u32 v3, $0x10  }
0x48: {  	v1 =	vld [tilespmem:s5+$0x78E0];
	v6 =	vadd.f32 v12, v6  }
0x49: {  	v11 =	vld [tilespmem:s5+$0x28B0]  }
0x4a: {  	v13 =	vld [tilespmem:s5+$0x28C0];
	v3 =	vand.u32 $0xFFFF0000, v3;
	v6 =	vmax.f32 v6, $0.0e+00  }
0x4b: {  	v0 =	vld [tilespmem:s5+$0x78F0];
	v3 =	vadd.f32 v3, v8;
	[tilespmem:s5+$0x2880] =	vst v6;
	v6 =	vshll.u32 v4, $0x10  }
0x4c: {  	v63 =	vld [tilespmem:s5+$0x28D0];
	v6 =	vadd.f32 v6, v10  }
0x4d: {  	v14 =	vld [tilespmem:s5+$0x28E0];
	v3 =	vmax.f32 v3, $0.0e+00;
	v4 =	vand.u32 $0xFFFF0000, v4  }
0x4e: {  	v8 =	vld [tilespmem:s5+$0x28F0];
	[tilespmem:s5+$0x2890] =	vst v3;
	v3 =	vadd.f32 v4, v11;
	v10 =	vshll.u32 v5, $0x10;
	v4 =	vmax.f32 v6, $0.0e+00  }
0x4f: {  	v15 =	vld [tilespmem:s5+$0x3C80];
	[tilespmem:s5+$0x28A0] =	vst v4;
	v4 =	vadd.f32 v10, v13  }
0x50: {  	v5 =	vand.u32 $0xFFFF0000, v5;
	v6 =	vld [tilespmem:s5+$0x3C90];
	v10 =	vmax.f32 v3, $0.0e+00  }
0x51: {  	v11 =	vshll.u32 v7, $0x10;
	v5 =	vadd.f32 v5, v63;
	v3 =	vld [tilespmem:s5+$0x3CA0];
	[tilespmem:s5+$0x28B0] =	vst v10;
	v10 =	vmax.f32 v4, $0.0e+00  }
0x52: {  	v7 =	vand.u32 $0xFFFF0000, v7;
	v4 =	vld [tilespmem:s5+$0x3CB0];
	[tilespmem:s5+$0x28C0] =	vst v10;
	v10 =	vadd.f32 v11, v14  }
0x53: {  	v8 =	vadd.f32 v7, v8;
	v7 =	vshll.u32 v9, $0x10;
	v11 =	vmax.f32 v5, $0.0e+00;
	v5 =	vld [tilespmem:s5+$0x3CC0]  }
0x54: {  	s15 =	simm.s32 $0x200;
	[tilespmem:s5+$0x28D0] =	vst v11;
	v11 =	vmax.f32 v10, $0.0e+00;
	v10 =	vand.u32 $0xFFFF0000, v9;
	v9 =	vadd.f32 v7, v15;
	v7 =	vld [tilespmem:s5+$0x3CD0]  }
.LBB2_3:
0x55: {  	p1 =	sne.s32 s15, $0x4E00;
	[tilespmem:s5+$0x28E0] =	vst v11;
	v8 =	vmax.f32 v8, $0.0e+00;
	v6 =	vadd.f32 v10, v6;
	v10 =	vshll.u32 v2, $0x10;
	v11 =	vld [tilespmem:s5+$0x3CE0]  }
0x56: {  	s19 =	sshra.s32 s15, $0x2;
	v2 =	vand.u32 $0xFFFF0000, v2;
	[tilespmem:s5+$0x28F0] =	vst v8;
	v8 =	vmax.f32 v9, $0.0e+00;
	v3 =	vadd.f32 v10, v3;
	v9 =	vld [tilespmem:s5+$0x3CF0]  }
0x57: {  	v10 =	vld [tilespmem:s19+$0x7880];
	[tilespmem:s5+$0x3C80] =	vst v8;
	v6 =	vmax.f32 v6, $0.0e+00;
	v2 =	vadd.f32 v2, v4;
	v4 =	vshll.u32 v1, $0x10  }
0x58: {  	v1 =	vand.u32 $0xFFFF0000, v1;
	v8 =	vld [tilespmem:s19+$0x7890];
	[tilespmem:s5+$0x3C90] =	vst v6;
	v3 =	vmax.f32 v3, $0.0e+00;
	v4 =	vadd.f32 v4, v5  }
0x59: {  	v5 =	vld [tilespmem:s19+$0x78A0];
	[tilespmem:s5+$0x3CA0] =	vst v3;
	v2 =	vmax.f32 v2, $0.0e+00;
	v1 =	vadd.f32 v1, v7;
	v3 =	vshll.u32 v0, $0x10  }
0x5a: {  	v0 =	vand.u32 $0xFFFF0000, v0;
	v7 =	vld [tilespmem:s19+$0x78B0];
	[tilespmem:s5+$0x3CB0] =	vst v2;
	v2 =	vmax.f32 v4, $0.0e+00;
	v3 =	vadd.f32 v3, v11  }
0x5b: {  	v12 =	vld [tilespmem:s19+$0x78C0];
	[tilespmem:s5+$0x3CC0] =	vst v2;
	v1 =	vmax.f32 v1, $0.0e+00;
	v0 =	vadd.f32 v0, v9  }
0x5c: {  	v2 =	vld [tilespmem:s19+$0x78D0];
	[tilespmem:s5+$0x3CD0] =	vst v1;
	v3 =	vmax.f32 v3, $0.0e+00  }
0x5d: {  	v1 =	vld [tilespmem:s19+$0x78E0];
	[tilespmem:s5+$0x3CE0] =	vst v3;
	v3 =	vmax.f32 v0, $0.0e+00  }
0x5e: {  	v0 =	vld [tilespmem:s19+$0x78F0];
	[tilespmem:s5+$0x3CF0] =	vst v3;
	s5 =	smov.u32 s19  }
0x5f: {  	v3 =	vld [tilespmem:s5+$0x2880]  }
0x60: {  	v4 =	vld [tilespmem:s5+$0x2890]  }
0x61: {  	v6 =	vld [tilespmem:s5+$0x28A0]  }
0x62: {  	v9 =	vld [tilespmem:s5+$0x28B0]  }
0x63: {  	v11 =	vshll.u32 v10, $0x10;
	v13 =	vld [tilespmem:s5+$0x28C0]  }
0x64: {  	v10 =	vand.u32 $0xFFFF0000, v10;
	v3 =	vadd.f32 v11, v3;
	v11 =	vld [tilespmem:s5+$0x28D0]  }
0x65: {  	v4 =	vadd.f32 v10, v4;
	v10 =	vshll.u32 v8, $0x10;
	v14 =	vld [tilespmem:s5+$0x28E0]  }
0x66: {  	v8 =	vand.u32 $0xFFFF0000, v8;
	v3 =	vmax.f32 v3, $0.0e+00;
	v6 =	vadd.f32 v10, v6;
	v10 =	vld [tilespmem:s5+$0x28F0]  }
0x67: {  	[tilespmem:s5+$0x2880] =	vst v3;
	v3 =	vmax.f32 v4, $0.0e+00;
	v4 =	vadd.f32 v8, v9;
	v8 =	vshll.u32 v5, $0x10;
	v9 =	vld [tilespmem:s5+$0x3C80]  }
.Ltmp0:
0x68: {  	v5 =	vand.u32 $0xFFFF0000, v5;
	[tilespmem:s5+$0x2890] =	vst v3;
	v3 =	vmax.f32 v6, $0.0e+00;
	v8 =	vadd.f32 v8, v13;
	v6 =	vld [tilespmem:s5+$0x3C90];
	(pc) =	sbr.rel @p1 .LBB2_3-.Ltmp0, $4  }
0x69: {  	[tilespmem:s5+$0x28A0] =	vst v3;
	v4 =	vmax.f32 v4, $0.0e+00;
	v5 =	vadd.f32 v5, v11;
	v11 =	vshll.u32 v7, $0x10;
	v3 =	vld [tilespmem:s5+$0x3CA0]  }
0x6a: {  	v7 =	vand.u32 $0xFFFF0000, v7;
	[tilespmem:s5+$0x28B0] =	vst v4;
	v8 =	vmax.f32 v8, $0.0e+00;
	v11 =	vadd.f32 v11, v14;
	v4 =	vld [tilespmem:s5+$0x3CB0]  }
0x6b: {  	[tilespmem:s5+$0x28C0] =	vst v8;
	v13 =	vmax.f32 v5, $0.0e+00;
	v8 =	vadd.f32 v7, v10;
	v7 =	vshll.u32 v12, $0x10;
	v5 =	vld [tilespmem:s5+$0x3CC0]  }
0x6c: {  	s15 =	sadd.s32 $0x200, s15;
	v10 =	vand.u32 $0xFFFF0000, v12;
	[tilespmem:s5+$0x28D0] =	vst v13;
	v11 =	vmax.f32 v11, $0.0e+00;
	v9 =	vadd.f32 v7, v9;
	v7 =	vld [tilespmem:s5+$0x3CD0]  }
0x6d: {  	[tilespmem:s5+$0x28E0] =	vst v11;
	v8 =	vmax.f32 v8, $0.0e+00;
	v11 =	vld [tilespmem:s5+$0x3CE0];
	v6 =	vadd.f32 v10, v6;
	v10 =	vshll.u32 v2, $0x10  }
0x6e: {  	v2 =	vand.u32 $0xFFFF0000, v2;
	[tilespmem:s5+$0x28F0] =	vst v8;
	v8 =	vmax.f32 v9, $0.0e+00;
	v3 =	vadd.f32 v10, v3;
	v9 =	vld [tilespmem:s5+$0x3CF0]  }
0x6f: {  	[tilespmem:s5+$0x3C80] =	vst v8;
	v6 =	vmax.f32 v6, $0.0e+00;
	v2 =	vadd.f32 v2, v4;
	v4 =	vshll.u32 v1, $0x10  }
0x70: {  	v1 =	vand.u32 $0xFFFF0000, v1;
	[tilespmem:s5+$0x3C90] =	vst v6;
	v3 =	vmax.f32 v3, $0.0e+00;
	v4 =	vadd.f32 v4, v5  }
0x71: {  	[tilespmem:s5+$0x3CA0] =	vst v3;
	v2 =	vmax.f32 v2, $0.0e+00;
	v1 =	vadd.f32 v1, v7;
	v3 =	vshll.u32 v0, $0x10  }
0x72: {  	v0 =	vand.u32 $0xFFFF0000, v0;
	[tilespmem:s5+$0x3CB0] =	vst v2;
	v2 =	vmax.f32 v4, $0.0e+00;
	v3 =	vadd.f32 v3, v11  }
0x73: {  	[tilespmem:s5+$0x3CC0] =	vst v2;
	v1 =	vmax.f32 v1, $0.0e+00;
	v0 =	vadd.f32 v0, v9  }
0x74: {  	[tilespmem:s5+$0x3CD0] =	vst v1;
	v1 =	vmax.f32 v3, $0.0e+00  }
0x75: {  	[tilespmem:s5+$0x3CE0] =	vst v1;
	v0 =	vmax.f32 v0, $0.0e+00  }
0x76: {  	s19 =	sadd.s32 $0x2, s13;
	[tilespmem:s5+$0x3CF0] =	vst v0  }
0x77: {  	[spmem:s3] =	stream.indirect.scatter.add.f32 [tilespmem:s21], [sflag:$0x7], $0x80, s23, s20, $0xb8;
	[tilespmem:$0x1D900] =	vst v63  }
0x78: {  	s13 =	smul.u32 $0x140, s19;
	_ =	swait.ge [sflag:s31], $0x2800  }
0x79: {  	s5 =	sadd.s32 s10, s19;
	[sflag:s31] =	ssyncset.done $0x0  }
0x7a: {  	s13 =	sshra.s32 s13, $0x2;
	s15 =	smul.u32 $0x280, s5;
	[sflag:s31] =	ssyncadd.s32 $0xFFFFD800  }
0x7b: {  	[tilespmem:s21], [sflag:$0x1] =	stream.indirect.gather [hbm4b:s2+s20], $0x80, s13, s20, $0xb8;
	[tilespmem:$0x1D900] =	vst v63  }
0x7c: {  	s19 =	simm.s32 $0x0;
	s5 =	smul.u32 $0xA, s5;
	s15 =	sadd.s32 s7, s15  }
0x7d: {  	[tilespmem:s22], [sflag:$0x3] =	stream.linear.gather [hbm4b:s15+s19], $0x1400, $0x38;
	[tilespmem:$0x1D900] =	vst v63  }
0x7e: {  	s5 =	sadd.s32 s6, s5  }
0x7f: {  	[tilespmem:s23], [sflag:$0x5] =	stream.linear.gather [hbm4b:s5+s19], $0x50, $0x38;
	[tilespmem:$0x1D900] =	vst v63  }
0x80: {  	_ =	swait.ge [sflag:s1], $0x2800  }
0x81: {  	[sflag:s1] =	ssyncset.done $0x0  }
0x82: {  	[sflag:s1] =	ssyncadd.s32 $0xFFFFD800  }
0x83: {  	_ =	swait.ge [sflag:s0], $0x1400  }
0x84: {  	[sflag:s0] =	ssyncset.done $0x0  }
0x85: {  	[sflag:s0] =	ssyncadd.s32 $0xFFFFEC00  }
0x86: {  	_ =	swait.ge [sflag:s8], $0x50  }
0x87: {  	[sflag:s8] =	ssyncset.done $0x0  }
0x88: {  	s5 =	simm.s32 $0x0;
	[sflag:s8] =	ssyncadd.s32 $0xFFFFFFB0  }
0x89: {  	v3 =	vld [tilespmem:s5+$0x8C80]  }
0x8a: {  	v4 =	vld [tilespmem:s5+$0x8C90]  }
0x8b: {  	v5 =	vld [tilespmem:s5+$0x8CA0]  }
0x8c: {  	v7 =	vld [tilespmem:s5+$0x8CB0]  }
0x8d: {  	v6 =	vld [tilespmem:s5+$0x5080]  }
0x8e: {  	v9 =	vld [tilespmem:s5+$0x8CC0]  }
0x8f: {  	v2 =	vld [tilespmem:s5+$0x8CD0]  }
0x90: {  	v8 =	vld [tilespmem:s5+$0x5090]  }
0x91: {  	v10 =	vld [tilespmem:s5+$0x50A0];
	v12 =	vshll.u32 v3, $0x10  }
0x92: {  	v1 =	vld [tilespmem:s5+$0x8CE0];
	v6 =	vadd.f32 v12, v6  }
0x93: {  	v11 =	vld [tilespmem:s5+$0x50B0]  }
0x94: {  	v13 =	vld [tilespmem:s5+$0x50C0];
	v3 =	vand.u32 $0xFFFF0000, v3;
	v6 =	vmax.f32 v6, $0.0e+00  }
0x95: {  	v0 =	vld [tilespmem:s5+$0x8CF0];
	v3 =	vadd.f32 v3, v8;
	[tilespmem:s5+$0x5080] =	vst v6;
	v6 =	vshll.u32 v4, $0x10  }
0x96: {  	v63 =	vld [tilespmem:s5+$0x50D0];
	v6 =	vadd.f32 v6, v10  }
0x97: {  	v14 =	vld [tilespmem:s5+$0x50E0];
	v3 =	vmax.f32 v3, $0.0e+00;
	v4 =	vand.u32 $0xFFFF0000, v4  }
0x98: {  	v8 =	vld [tilespmem:s5+$0x50F0];
	[tilespmem:s5+$0x5090] =	vst v3;
	v3 =	vadd.f32 v4, v11;
	v10 =	vshll.u32 v5, $0x10;
	v4 =	vmax.f32 v6, $0.0e+00  }
0x99: {  	v15 =	vld [tilespmem:s5+$0x6480];
	[tilespmem:s5+$0x50A0] =	vst v4;
	v4 =	vadd.f32 v10, v13  }
0x9a: {  	v5 =	vand.u32 $0xFFFF0000, v5;
	v6 =	vld [tilespmem:s5+$0x6490];
	v10 =	vmax.f32 v3, $0.0e+00  }
0x9b: {  	v11 =	vshll.u32 v7, $0x10;
	v5 =	vadd.f32 v5, v63;
	v3 =	vld [tilespmem:s5+$0x64A0];
	[tilespmem:s5+$0x50B0] =	vst v10;
	v10 =	vmax.f32 v4, $0.0e+00  }
0x9c: {  	v7 =	vand.u32 $0xFFFF0000, v7;
	v4 =	vld [tilespmem:s5+$0x64B0];
	[tilespmem:s5+$0x50C0] =	vst v10;
	v10 =	vadd.f32 v11, v14  }
0x9d: {  	v8 =	vadd.f32 v7, v8;
	v7 =	vshll.u32 v9, $0x10;
	v11 =	vmax.f32 v5, $0.0e+00;
	v5 =	vld [tilespmem:s5+$0x64C0]  }
0x9e: {  	s13 =	simm.s32 $0x200;
	[tilespmem:s5+$0x50D0] =	vst v11;
	v11 =	vmax.f32 v10, $0.0e+00;
	v10 =	vand.u32 $0xFFFF0000, v9;
	v9 =	vadd.f32 v7, v15;
	v7 =	vld [tilespmem:s5+$0x64D0]  }
.LBB2_5:
0x9f: {  	p1 =	sne.s32 s13, $0x4E00;
	[tilespmem:s5+$0x50E0] =	vst v11;
	v8 =	vmax.f32 v8, $0.0e+00;
	v6 =	vadd.f32 v10, v6;
	v10 =	vshll.u32 v2, $0x10;
	v11 =	vld [tilespmem:s5+$0x64E0]  }
0xa0: {  	s15 =	sshra.s32 s13, $0x2;
	v2 =	vand.u32 $0xFFFF0000, v2;
	[tilespmem:s5+$0x50F0] =	vst v8;
	v8 =	vmax.f32 v9, $0.0e+00;
	v3 =	vadd.f32 v10, v3;
	v9 =	vld [tilespmem:s5+$0x64F0]  }
0xa1: {  	v10 =	vld [tilespmem:s15+$0x8C80];
	[tilespmem:s5+$0x6480] =	vst v8;
	v6 =	vmax.f32 v6, $0.0e+00;
	v2 =	vadd.f32 v2, v4;
	v4 =	vshll.u32 v1, $0x10  }
0xa2: {  	v1 =	vand.u32 $0xFFFF0000, v1;
	v8 =	vld [tilespmem:s15+$0x8C90];
	[tilespmem:s5+$0x6490] =	vst v6;
	v3 =	vmax.f32 v3, $0.0e+00;
	v4 =	vadd.f32 v4, v5  }
0xa3: {  	v5 =	vld [tilespmem:s15+$0x8CA0];
	[tilespmem:s5+$0x64A0] =	vst v3;
	v2 =	vmax.f32 v2, $0.0e+00;
	v1 =	vadd.f32 v1, v7;
	v3 =	vshll.u32 v0, $0x10  }
0xa4: {  	v0 =	vand.u32 $0xFFFF0000, v0;
	v7 =	vld [tilespmem:s15+$0x8CB0];
	[tilespmem:s5+$0x64B0] =	vst v2;
	v2 =	vmax.f32 v4, $0.0e+00;
	v3 =	vadd.f32 v3, v11  }
0xa5: {  	v12 =	vld [tilespmem:s15+$0x8CC0];
	[tilespmem:s5+$0x64C0] =	vst v2;
	v1 =	vmax.f32 v1, $0.0e+00;
	v0 =	vadd.f32 v0, v9  }
0xa6: {  	v2 =	vld [tilespmem:s15+$0x8CD0];
	[tilespmem:s5+$0x64D0] =	vst v1;
	v3 =	vmax.f32 v3, $0.0e+00  }
0xa7: {  	v1 =	vld [tilespmem:s15+$0x8CE0];
	[tilespmem:s5+$0x64E0] =	vst v3;
	v3 =	vmax.f32 v0, $0.0e+00  }
0xa8: {  	v0 =	vld [tilespmem:s15+$0x8CF0];
	[tilespmem:s5+$0x64F0] =	vst v3;
	s5 =	smov.u32 s15  }
0xa9: {  	v3 =	vld [tilespmem:s5+$0x5080]  }
0xaa: {  	v4 =	vld [tilespmem:s5+$0x5090]  }
0xab: {  	v6 =	vld [tilespmem:s5+$0x50A0]  }
0xac: {  	v9 =	vld [tilespmem:s5+$0x50B0]  }
0xad: {  	v11 =	vshll.u32 v10, $0x10;
	v13 =	vld [tilespmem:s5+$0x50C0]  }
0xae: {  	v10 =	vand.u32 $0xFFFF0000, v10;
	v3 =	vadd.f32 v11, v3;
	v11 =	vld [tilespmem:s5+$0x50D0]  }
0xaf: {  	v4 =	vadd.f32 v10, v4;
	v10 =	vshll.u32 v8, $0x10;
	v14 =	vld [tilespmem:s5+$0x50E0]  }
0xb0: {  	v8 =	vand.u32 $0xFFFF0000, v8;
	v3 =	vmax.f32 v3, $0.0e+00;
	v6 =	vadd.f32 v10, v6;
	v10 =	vld [tilespmem:s5+$0x50F0]  }
0xb1: {  	[tilespmem:s5+$0x5080] =	vst v3;
	v3 =	vmax.f32 v4, $0.0e+00;
	v4 =	vadd.f32 v8, v9;
	v8 =	vshll.u32 v5, $0x10;
	v9 =	vld [tilespmem:s5+$0x6480]  }
.Ltmp1:
0xb2: {  	v5 =	vand.u32 $0xFFFF0000, v5;
	[tilespmem:s5+$0x5090] =	vst v3;
	v3 =	vmax.f32 v6, $0.0e+00;
	v8 =	vadd.f32 v8, v13;
	v6 =	vld [tilespmem:s5+$0x6490];
	(pc) =	sbr.rel @p1 .LBB2_5-.Ltmp1, $4  }
0xb3: {  	[tilespmem:s5+$0x50A0] =	vst v3;
	v4 =	vmax.f32 v4, $0.0e+00;
	v5 =	vadd.f32 v5, v11;
	v11 =	vshll.u32 v7, $0x10;
	v3 =	vld [tilespmem:s5+$0x64A0]  }
0xb4: {  	v7 =	vand.u32 $0xFFFF0000, v7;
	[tilespmem:s5+$0x50B0] =	vst v4;
	v8 =	vmax.f32 v8, $0.0e+00;
	v11 =	vadd.f32 v11, v14;
	v4 =	vld [tilespmem:s5+$0x64B0]  }
0xb5: {  	[tilespmem:s5+$0x50C0] =	vst v8;
	v13 =	vmax.f32 v5, $0.0e+00;
	v8 =	vadd.f32 v7, v10;
	v7 =	vshll.u32 v12, $0x10;
	v5 =	vld [tilespmem:s5+$0x64C0]  }
0xb6: {  	s13 =	sadd.s32 $0x200, s13;
	v10 =	vand.u32 $0xFFFF0000, v12;
	[tilespmem:s5+$0x50D0] =	vst v13;
	v11 =	vmax.f32 v11, $0.0e+00;
	v9 =	vadd.f32 v7, v9;
	v7 =	vld [tilespmem:s5+$0x64D0]  }
0xb7: {  	[tilespmem:s5+$0x50E0] =	vst v11;
	v8 =	vmax.f32 v8, $0.0e+00;
	v53 =	vld [tilespmem:s5+$0x64E0];
	v6 =	vadd.f32 v10, v6;
	v54 =	vshll.u32 v2, $0x10  }
0xb8: {  	v56 =	vand.u32 $0xFFFF0000, v2;
	v57 =	vld [tilespmem:s5+$0x64F0];
	[tilespmem:s5+$0x50F0] =	vst v8;
	v55 =	vmax.f32 v9, $0.0e+00;
	v3 =	vadd.f32 v54, v3  }
0xb9: {  	v58 =	vshll.u32 v1, $0x10;
	[tilespmem:s5+$0x6480] =	vst v55;
	v6 =	vmax.f32 v6, $0.0e+00;
	v2 =	vadd.f32 v56, v4  }
0xba: {  	v59 =	vand.u32 $0xFFFF0000, v1;
	[tilespmem:s5+$0x6490] =	vst v6;
	v3 =	vmax.f32 v3, $0.0e+00;
	v4 =	vadd.f32 v58, v5  }
0xbb: {  	v60 =	vshll.u32 v0, $0x10;
	s12 =	sadd.s32 $0x1, s12;
	[tilespmem:s5+$0x64A0] =	vst v3;
	v2 =	vmax.f32 v2, $0.0e+00;
	v1 =	vadd.f32 v59, v7  }
0xbc: {  	v62 =	vand.u32 $0xFFFF0000, v0;
	p1 =	sne.s32 s12, $0x3E;
	[tilespmem:s5+$0x64B0] =	vst v2;
	v61 =	vmax.f32 v4, $0.0e+00;
	v3 =	vadd.f32 v60, v53  }
.Ltmp2:
0xbd: {  	v0 =	vadd.f32 v62, v57;
	[tilespmem:s5+$0x64C0] =	vst v61;
	v1 =	vmax.f32 v1, $0.0e+00;
	(pc) =	sbr.rel @p1 .LBB2_2-.Ltmp2, $4  }
0xbe: {  	[tilespmem:s5+$0x64D0] =	vst v1;
	v63 =	vmax.f32 v3, $0.0e+00  }
0xbf: {  	v0 =	vmax.f32 v0, $0.0e+00;
	[tilespmem:s5+$0x64E0] =	vst v63  }
0xc0: {  	[tilespmem:s5+$0x64F0] =	vst v0  }
0xc1: {  	[spmem:s3] =	stream.indirect.scatter.add.f32 [tilespmem:s24], [sflag:$0x8], $0x80, s26, s20, $0xb8;
	[tilespmem:$0x1D900] =	vst v63  }
0xc2: {  	_ =	swait.ge [sflag:s9], $0x2800  }
0xc3: {  	[sflag:s9] =	ssyncset.done $0x0  }
0xc4: {  	[sflag:s9] =	ssyncadd.s32 $0xFFFFD800  }
0xc5: {  	_ =	swait.ge [sflag:s28], $0x2800  }
0xc6: {  	[sflag:s28] =	ssyncset.done $0x0  }
0xc7: {  	[sflag:s28] =	ssyncadd.s32 $0xFFFFD800  }
0xc8: {  	_ =	swait.ge [sflag:s29], $0x1400  }
0xc9: {  	[sflag:s29] =	ssyncset.done $0x0  }
0xca: {  	[sflag:s29] =	ssyncadd.s32 $0xFFFFEC00  }
0xcb: {  	_ =	swait.ge [sflag:s30], $0x50  }
0xcc: {  	[sflag:s30] =	ssyncset.done $0x0  }
0xcd: {  	s5 =	simm.s32 $0x0;
	[sflag:s30] =	ssyncadd.s32 $0xFFFFFFB0  }
0xce: {  	v3 =	vld [tilespmem:s5+$0x7880]  }
0xcf: {  	v4 =	vld [tilespmem:s5+$0x7890]  }
0xd0: {  	v5 =	vld [tilespmem:s5+$0x78A0]  }
0xd1: {  	v7 =	vld [tilespmem:s5+$0x78B0]  }
0xd2: {  	v6 =	vld [tilespmem:s5+$0x2880]  }
0xd3: {  	v9 =	vld [tilespmem:s5+$0x78C0]  }
0xd4: {  	v2 =	vld [tilespmem:s5+$0x78D0]  }
0xd5: {  	v8 =	vld [tilespmem:s5+$0x2890]  }
0xd6: {  	v10 =	vld [tilespmem:s5+$0x28A0];
	v12 =	vshll.u32 v3, $0x10  }
0xd7: {  	v1 =	vld [tilespmem:s5+$0x78E0];
	v6 =	vadd.f32 v12, v6  }
0xd8: {  	v11 =	vld [tilespmem:s5+$0x28B0]  }
0xd9: {  	v13 =	vld [tilespmem:s5+$0x28C0];
	v3 =	vand.u32 $0xFFFF0000, v3;
	v6 =	vmax.f32 v6, $0.0e+00  }
0xda: {  	v0 =	vld [tilespmem:s5+$0x78F0];
	v3 =	vadd.f32 v3, v8;
	[tilespmem:s5+$0x2880] =	vst v6;
	v6 =	vshll.u32 v4, $0x10  }
0xdb: {  	v63 =	vld [tilespmem:s5+$0x28D0];
	v6 =	vadd.f32 v6, v10  }
0xdc: {  	v14 =	vld [tilespmem:s5+$0x28E0];
	v3 =	vmax.f32 v3, $0.0e+00;
	v4 =	vand.u32 $0xFFFF0000, v4  }
0xdd: {  	v8 =	vld [tilespmem:s5+$0x28F0];
	[tilespmem:s5+$0x2890] =	vst v3;
	v3 =	vadd.f32 v4, v11;
	v10 =	vshll.u32 v5, $0x10;
	v4 =	vmax.f32 v6, $0.0e+00  }
0xde: {  	v15 =	vld [tilespmem:s5+$0x3C80];
	[tilespmem:s5+$0x28A0] =	vst v4;
	v4 =	vadd.f32 v10, v13  }
0xdf: {  	v5 =	vand.u32 $0xFFFF0000, v5;
	v6 =	vld [tilespmem:s5+$0x3C90];
	v10 =	vmax.f32 v3, $0.0e+00  }
0xe0: {  	v11 =	vshll.u32 v7, $0x10;
	v5 =	vadd.f32 v5, v63;
	v3 =	vld [tilespmem:s5+$0x3CA0];
	[tilespmem:s5+$0x28B0] =	vst v10;
	v10 =	vmax.f32 v4, $0.0e+00  }
0xe1: {  	v7 =	vand.u32 $0xFFFF0000, v7;
	v4 =	vld [tilespmem:s5+$0x3CB0];
	[tilespmem:s5+$0x28C0] =	vst v10;
	v10 =	vadd.f32 v11, v14  }
0xe2: {  	v8 =	vadd.f32 v7, v8;
	v7 =	vshll.u32 v9, $0x10;
	v11 =	vmax.f32 v5, $0.0e+00;
	v5 =	vld [tilespmem:s5+$0x3CC0]  }
0xe3: {  	s12 =	simm.s32 $0x200;
	[tilespmem:s5+$0x28D0] =	vst v11;
	v11 =	vmax.f32 v10, $0.0e+00;
	v10 =	vand.u32 $0xFFFF0000, v9;
	v9 =	vadd.f32 v7, v15;
	v7 =	vld [tilespmem:s5+$0x3CD0]  }
.LBB2_8:
0xe4: {  	p1 =	sne.s32 s12, $0x4E00;
	[tilespmem:s5+$0x28E0] =	vst v11;
	v8 =	vmax.f32 v8, $0.0e+00;
	v6 =	vadd.f32 v10, v6;
	v10 =	vshll.u32 v2, $0x10;
	v11 =	vld [tilespmem:s5+$0x3CE0]  }
0xe5: {  	s13 =	sshra.s32 s12, $0x2;
	v2 =	vand.u32 $0xFFFF0000, v2;
	[tilespmem:s5+$0x28F0] =	vst v8;
	v8 =	vmax.f32 v9, $0.0e+00;
	v3 =	vadd.f32 v10, v3;
	v9 =	vld [tilespmem:s5+$0x3CF0]  }
0xe6: {  	v10 =	vld [tilespmem:s13+$0x7880];
	[tilespmem:s5+$0x3C80] =	vst v8;
	v6 =	vmax.f32 v6, $0.0e+00;
	v2 =	vadd.f32 v2, v4;
	v4 =	vshll.u32 v1, $0x10  }
0xe7: {  	v1 =	vand.u32 $0xFFFF0000, v1;
	v8 =	vld [tilespmem:s13+$0x7890];
	[tilespmem:s5+$0x3C90] =	vst v6;
	v3 =	vmax.f32 v3, $0.0e+00;
	v4 =	vadd.f32 v4, v5  }
0xe8: {  	v5 =	vld [tilespmem:s13+$0x78A0];
	[tilespmem:s5+$0x3CA0] =	vst v3;
	v2 =	vmax.f32 v2, $0.0e+00;
	v1 =	vadd.f32 v1, v7;
	v3 =	vshll.u32 v0, $0x10  }
0xe9: {  	v0 =	vand.u32 $0xFFFF0000, v0;
	v7 =	vld [tilespmem:s13+$0x78B0];
	[tilespmem:s5+$0x3CB0] =	vst v2;
	v2 =	vmax.f32 v4, $0.0e+00;
	v3 =	vadd.f32 v3, v11  }
0xea: {  	v12 =	vld [tilespmem:s13+$0x78C0];
	[tilespmem:s5+$0x3CC0] =	vst v2;
	v1 =	vmax.f32 v1, $0.0e+00;
	v0 =	vadd.f32 v0, v9  }
0xeb: {  	v2 =	vld [tilespmem:s13+$0x78D0];
	[tilespmem:s5+$0x3CD0] =	vst v1;
	v3 =	vmax.f32 v3, $0.0e+00  }
0xec: {  	v1 =	vld [tilespmem:s13+$0x78E0];
	[tilespmem:s5+$0x3CE0] =	vst v3;
	v3 =	vmax.f32 v0, $0.0e+00  }
0xed: {  	v0 =	vld [tilespmem:s13+$0x78F0];
	[tilespmem:s5+$0x3CF0] =	vst v3;
	s5 =	smov.u32 s13  }
0xee: {  	v3 =	vld [tilespmem:s5+$0x2880]  }
0xef: {  	v4 =	vld [tilespmem:s5+$0x2890]  }
0xf0: {  	v6 =	vld [tilespmem:s5+$0x28A0]  }
0xf1: {  	v9 =	vld [tilespmem:s5+$0x28B0]  }
0xf2: {  	v11 =	vshll.u32 v10, $0x10;
	v13 =	vld [tilespmem:s5+$0x28C0]  }
0xf3: {  	v10 =	vand.u32 $0xFFFF0000, v10;
	v3 =	vadd.f32 v11, v3;
	v11 =	vld [tilespmem:s5+$0x28D0]  }
0xf4: {  	v4 =	vadd.f32 v10, v4;
	v10 =	vshll.u32 v8, $0x10;
	v14 =	vld [tilespmem:s5+$0x28E0]  }
0xf5: {  	v8 =	vand.u32 $0xFFFF0000, v8;
	v3 =	vmax.f32 v3, $0.0e+00;
	v6 =	vadd.f32 v10, v6;
	v10 =	vld [tilespmem:s5+$0x28F0]  }
0xf6: {  	[tilespmem:s5+$0x2880] =	vst v3;
	v3 =	vmax.f32 v4, $0.0e+00;
	v4 =	vadd.f32 v8, v9;
	v8 =	vshll.u32 v5, $0x10;
	v9 =	vld [tilespmem:s5+$0x3C80]  }
.Ltmp3:
0xf7: {  	v5 =	vand.u32 $0xFFFF0000, v5;
	[tilespmem:s5+$0x2890] =	vst v3;
	v3 =	vmax.f32 v6, $0.0e+00;
	v8 =	vadd.f32 v8, v13;
	v6 =	vld [tilespmem:s5+$0x3C90];
	(pc) =	sbr.rel @p1 .LBB2_8-.Ltmp3, $4  }
0xf8: {  	[tilespmem:s5+$0x28A0] =	vst v3;
	v4 =	vmax.f32 v4, $0.0e+00;
	v5 =	vadd.f32 v5, v11;
	v11 =	vshll.u32 v7, $0x10;
	v3 =	vld [tilespmem:s5+$0x3CA0]  }
0xf9: {  	v7 =	vand.u32 $0xFFFF0000, v7;
	[tilespmem:s5+$0x28B0] =	vst v4;
	v8 =	vmax.f32 v8, $0.0e+00;
	v11 =	vadd.f32 v11, v14;
	v4 =	vld [tilespmem:s5+$0x3CB0]  }
0xfa: {  	[tilespmem:s5+$0x28C0] =	vst v8;
	v13 =	vmax.f32 v5, $0.0e+00;
	v8 =	vadd.f32 v7, v10;
	v7 =	vshll.u32 v12, $0x10;
	v5 =	vld [tilespmem:s5+$0x3CC0]  }
0xfb: {  	s12 =	sadd.s32 $0x200, s12;
	v10 =	vand.u32 $0xFFFF0000, v12;
	[tilespmem:s5+$0x28D0] =	vst v13;
	v11 =	vmax.f32 v11, $0.0e+00;
	v9 =	vadd.f32 v7, v9;
	v7 =	vld [tilespmem:s5+$0x3CD0]  }
0xfc: {  	[tilespmem:s5+$0x28E0] =	vst v11;
	v8 =	vmax.f32 v8, $0.0e+00;
	v53 =	vld [tilespmem:s5+$0x3CE0];
	v6 =	vadd.f32 v10, v6;
	v54 =	vshll.u32 v2, $0x10  }
0xfd: {  	v56 =	vand.u32 $0xFFFF0000, v2;
	v57 =	vld [tilespmem:s5+$0x3CF0];
	[tilespmem:s5+$0x28F0] =	vst v8;
	v55 =	vmax.f32 v9, $0.0e+00;
	v3 =	vadd.f32 v54, v3  }
0xfe: {  	v58 =	vshll.u32 v1, $0x10;
	[tilespmem:s5+$0x3C80] =	vst v55;
	v6 =	vmax.f32 v6, $0.0e+00;
	v2 =	vadd.f32 v56, v4  }
0xff: {  	v59 =	vand.u32 $0xFFFF0000, v1;
	[tilespmem:s5+$0x3C90] =	vst v6;
	v3 =	vmax.f32 v3, $0.0e+00;
	v4 =	vadd.f32 v58, v5  }
0x100: {  	v60 =	vshll.u32 v0, $0x10;
	[tilespmem:s5+$0x3CA0] =	vst v3;
	v2 =	vmax.f32 v2, $0.0e+00;
	v1 =	vadd.f32 v59, v7  }
0x101: {  	v62 =	vand.u32 $0xFFFF0000, v0;
	[tilespmem:s5+$0x3CB0] =	vst v2;
	v61 =	vmax.f32 v4, $0.0e+00;
	v3 =	vadd.f32 v60, v53  }
0x102: {  	v0 =	vadd.f32 v62, v57;
	[tilespmem:s5+$0x3CC0] =	vst v61;
	v1 =	vmax.f32 v1, $0.0e+00  }
0x103: {  	[tilespmem:s5+$0x3CD0] =	vst v1;
	v63 =	vmax.f32 v3, $0.0e+00  }
0x104: {  	v0 =	vmax.f32 v0, $0.0e+00;
	[tilespmem:s5+$0x3CE0] =	vst v63  }
0x105: {  	[tilespmem:s5+$0x3CF0] =	vst v0  }
0x106: {  	[spmem:s3] =	stream.indirect.scatter.add.f32 [tilespmem:s21], [sflag:$0x7], $0x80, s23, s20, $0xb8;
	[tilespmem:$0x1D900] =	vst v63  }
0x107: {  	_ =	swait.ge [sflag:s31], $0x2800  }
0x108: {  	[sflag:s31] =	ssyncset.done $0x0  }
0x109: {  	[sflag:s31] =	ssyncadd.s32 $0xFFFFD800  }
0x10a: {  	s12 =	simm.s32 @p0 $0x1FC9;
	s5 =	sadd.s32 @p0 $0x25800, s14;
	[bflag:$0x0] =	sbarrier.arrive $0xFFFF  }
0x10b: {  	[hbm:s5], [sflag:s12] =	dma.local @p0 [spmem:s16], $0x1900  }
0x10c: {  	s5 =	simm.s32 @p0 $0x9  }
0x10d: {  	_ =	swait.ge @p0 [sflag:s5], $0x1900  }
0x10e: {  	[sflag:s5] =	ssyncset.done @p0 $0x0  }
0x10f: {  	[sflag:s5] =	ssyncadd.s32 @p0 $0xFFFFE700;
	s5 =	rddreg [dreg:$0x4]  }
0x110: {  	s5 =	sadd.s32 @!p0 s5, s14  }
0x111: {  	[hbm:s5], [sflag:s17] =	dma.local @!p0 [spmem:s18], $0x2800  }
0x112: {  	s5 =	simm.s32 @!p0 $0x9  }
0x113: {  	_ =	swait.ge @!p0 [sflag:s5], $0x2800  }
0x114: {  	s11 =	sadd.s32 $0x1, s11;
	s19 =	rddreg [dreg:$0xa]  }
0x115: {  	p1 =	sne.s32 s11, s19  }
.Ltmp4:
0x116: {  	_ = 	snop;
	(pc) =	sbr.rel @p1 .LBB2_1-.Ltmp4, $3  }
0x117: {  	_ =	sdelay $0x1  }
0x118: {  	[sflag:s5] =	ssyncset.done @!p0 $0x0  }
0x119: {  	[sflag:s5] =	ssyncadd.s32 @!p0 $0xFFFFD800  }
0x11a: {  	_ =	sfence.sel $0x180000  }
0x11b: {  	[bflag:$0x0] =	sbarrier.arrive $0xFFFF  }
0x11c: {  	_ =	strace $0x90000047  }
0x11d: {  	s0 =	stileid.u32;
	[bflag:$0x2] =	sbarrier.arrive $0xFFFF  }
0x11e: {  	p0 =	sne.s32 s0, $0x0;
	s0 =	rddreg [dreg:$0x3]  }
0x11f: {  	s0 =	sadd.s32 @!p0 $0x100000, s0  }
0x120: {  	[sflag:s0] =	ssyncadd.tile.s32 @!p0 $0x1;
	_ =	shalt  }
.Lfunc_end2:
_tile_overlayer_lowered:
.L_overlay_start_2:
0x121: {  	(tag) =	ssettag $0x2  }
0x122: {  	s0 =	rddreg [dreg:$0x0];
	s2 =	stileid.u32  }
0x123: {  	s1 =	rddreg [dreg:$0x1];
	p0 =	sne.s32 s2, $0x0  }
0x124: {  	s3 =	rddreg [dreg:$0x2];
	[bflag:$0x3] =	sbarrier.arrive $0xFFFF;
	s2 =	simm.s32 @!p0 $0x1C09  }
0x125: {  	[timem:s3], [sflag:s2] =	dma.local @!p0 [hbm:s0], s1  }
0x126: {  	s0 =	simm.s32 @!p0 $0x9  }
0x127: {  	_ =	swait.ge @!p0 [sflag:s0], s1  }
0x128: {  	s1 =	ssub.s32 @!p0 $0x0, s1;
	[sflag:s0] =	ssyncset.done @!p0 $0x0  }
0x129: {  	[sflag:s0] =	ssyncadd.s32 @!p0 s1  }
0x12a: {  	[bflag:$0x3] =	sbarrier.arrive $0xFFFF  }
0x12b: {  	_ =	shalt  }

</sc_bundles>
